<compile_context>
chip_gen: v7x
topology: tpu7x:2x2x1
jax: 0.10.2.dev20260603
libtpu: 0.0.44.dev20260713+nightly
codegen_flags: <defaults>
</compile_context>

<pallas_src>
import functools

import jax
import jax.numpy as jnp
from jax import lax
from jax.experimental import pallas as pl
from jax.experimental.pallas import tpu as pltpu
from jax.experimental.pallas import tpu_sc as plsc

N_NODES = 10000
N_EDGES = 320000
EMBED = 128
N_QUERY = 4096

E_BLOCK = 8192

NC = 2
NS = 16
NW = NC * NS
EDGES_PER_TILE = N_EDGES // NW
CHUNK = 80
NCHUNK = EDGES_PER_TILE // CHUNK
N_NODES_PAD = 10240
ZROWS = N_NODES_PAD // NS
QC = 64
NQC = N_QUERY // QC
Q_PER_TILE = N_QUERY // NS


def _mlp_body(u_ref, rep_ref, w1_ref, b1_ref, w2_ref, b2_ref,
              w3_ref, b3_ref, ei_ref, h_ref, p_ref, dst_ref):
    u = u_ref[...]
    dst_ref[...] = ei_ref[1, :]
    x = jnp.dot(u, w1_ref[0:EMBED], preferred_element_type=jnp.float32)
    x = x + jnp.dot(rep_ref[...], w1_ref[EMBED:2 * EMBED],
                    preferred_element_type=jnp.float32)
    x = jnp.maximum(x + b1_ref[...], 0.0)
    x = jnp.maximum(jnp.dot(x, w2_ref[...], preferred_element_type=jnp.float32)
                    + b2_ref[...], 0.0)
    s = jnp.dot(x, w3_ref[...], preferred_element_type=jnp.float32) + b3_ref[...]
    p = jnp.exp(s)
    h_ref[...] = u * p
    p_ref[...] = p[:, 0]


def _mlp_stage(u, rep, w1, b1, w2, b2, w3, b3r, ei):
    grid = (N_EDGES + E_BLOCK - 1) // E_BLOCK
    return pl.pallas_call(
        _mlp_body,
        grid=(grid,),
        in_specs=[
            pl.BlockSpec((E_BLOCK, EMBED), lambda i: (i, 0)),
            pl.BlockSpec((E_BLOCK, EMBED), lambda i: (i, 0)),
            pl.BlockSpec((2 * EMBED, EMBED), lambda i: (0, 0)),
            pl.BlockSpec((1, EMBED), lambda i: (0, 0)),
            pl.BlockSpec((EMBED, EMBED), lambda i: (0, 0)),
            pl.BlockSpec((1, EMBED), lambda i: (0, 0)),
            pl.BlockSpec((EMBED, 1), lambda i: (0, 0)),
            pl.BlockSpec((1, 1), lambda i: (0, 0)),
            pl.BlockSpec((2, E_BLOCK), lambda i: (0, i)),
        ],
        out_specs=[
            pl.BlockSpec((E_BLOCK, EMBED), lambda i: (i, 0)),
            pl.BlockSpec((E_BLOCK,), lambda i: (i,)),
            pl.BlockSpec((E_BLOCK,), lambda i: (i,)),
        ],
        out_shape=[
            jax.ShapeDtypeStruct((N_EDGES, EMBED), jnp.float32),
            jax.ShapeDtypeStruct((N_EDGES,), jnp.float32),
            jax.ShapeDtypeStruct((N_EDGES,), jnp.int32),
        ],
    )(u, rep, w1, b1, w2, b2, w3, b3r, ei)


def _sc_body(h_hbm, p_hbm, dst_hbm, nodes_hbm, num_hbm, den_hbm,
             h0_v, h1_v, d0_v, d1_v, p0_v, p1_v, denom_v, qidx_v, qden_v, z_sh,
             hsem0, hsem1, dsem0, dsem1, psem0, psem1, ssem0, ssem1):
    cid = lax.axis_index("c")
    sid = lax.axis_index("s")
    wid = sid * NC + cid

    zeros16 = jnp.zeros((16,), jnp.float32)

    def zero_row(r, _):
        for k in range(EMBED // 16):
            h0_v[r, pl.ds(k * 16, 16)] = zeros16
        return 0
    lax.fori_loop(0, CHUNK, zero_row, 0)

    def zero_den(i, _):
        denom_v[pl.ds(i * 16, 16)] = zeros16
        return 0
    lax.fori_loop(0, N_NODES_PAD // 16, zero_den, 0)

    def zcopy(j, _):
        pltpu.sync_copy(h0_v, z_sh.at[pl.ds(sid * ZROWS + j * CHUNK, CHUNK)])
        return 0
    lax.fori_loop(0, ZROWS // CHUNK, zcopy, 0)

    plsc.subcore_barrier()

    def _start_load(j, hbuf, dbuf, pbuf, hsem, dsem, psem):
        base = wid * EDGES_PER_TILE + j * CHUNK
        pltpu.async_copy(h_hbm.at[pl.ds(base, CHUNK)], hbuf, hsem)
        pltpu.async_copy(dst_hbm.at[pl.ds(base, CHUNK)], dbuf, dsem)
        pltpu.async_copy(p_hbm.at[pl.ds(base, CHUNK)], pbuf, psem)

    def _wait_load(j, hbuf, dbuf, pbuf, hsem, dsem, psem):
        base = wid * EDGES_PER_TILE + j * CHUNK
        pltpu.make_async_copy(h_hbm.at[pl.ds(base, CHUNK)], hbuf, hsem).wait()
        pltpu.make_async_copy(dst_hbm.at[pl.ds(base, CHUNK)], dbuf, dsem).wait()
        pltpu.make_async_copy(p_hbm.at[pl.ds(base, CHUNK)], pbuf, psem).wait()

    def _start_scatter(hbuf, dbuf, ssem):
        pltpu.async_copy(hbuf, z_sh.at[dbuf], ssem, add=True)

    def _wait_scatter(hbuf, dbuf, ssem):
        pltpu.make_async_copy(hbuf, z_sh.at[dbuf], ssem).wait()

    def _denom(dbuf, pbuf):
        for k in range(CHUNK // 16):
            dvec = dbuf[pl.ds(k * 16, 16)]
            pvec = pbuf[pl.ds(k * 16, 16)]
            plsc.addupdate_scatter(denom_v, [dvec], pvec)

    _start_load(0, h0_v, d0_v, p0_v, hsem0, dsem0, psem0)

    def chunk_pair(j2, _):
        j0 = 2 * j2
        _wait_load(j0, h0_v, d0_v, p0_v, hsem0, dsem0, psem0)

        @pl.when(j2 > 0)
        def _():
            _wait_scatter(h1_v, d1_v, ssem1)
        _start_load(j0 + 1, h1_v, d1_v, p1_v, hsem1, dsem1, psem1)
        _start_scatter(h0_v, d0_v, ssem0)
        _denom(d0_v, p0_v)
        _wait_load(j0 + 1, h1_v, d1_v, p1_v, hsem1, dsem1, psem1)
        _wait_scatter(h0_v, d0_v, ssem0)
        _start_load(j0 + 2, h0_v, d0_v, p0_v, hsem0, dsem0, psem0)
        _start_scatter(h1_v, d1_v, ssem1)
        _denom(d1_v, p1_v)
        return 0
    lax.fori_loop(0, (NCHUNK - 1) // 2, chunk_pair, 0)
    _wait_scatter(h1_v, d1_v, ssem1)
    _wait_load(NCHUNK - 1, h0_v, d0_v, p0_v, hsem0, dsem0, psem0)
    _start_scatter(h0_v, d0_v, ssem0)
    _denom(d0_v, p0_v)
    _wait_scatter(h0_v, d0_v, ssem0)

    def qden(t, _):
        pltpu.sync_copy(nodes_hbm.at[pl.ds(t * QC, QC)], qidx_v)
        for k in range(QC // 16):
            ivec = qidx_v[pl.ds(k * 16, 16)]
            qden_v[pl.ds(t * QC + k * 16, 16)] = plsc.load_gather(
                denom_v, [ivec])
        return 0
    lax.fori_loop(0, NQC, qden, 0)
    pltpu.sync_copy(qden_v, den_hbm.at[cid, sid])

    plsc.subcore_barrier()

    def qchunk(t, _):
        row = sid * (Q_PER_TILE // QC) + t
        pltpu.sync_copy(nodes_hbm.at[pl.ds(row * QC, QC)], qidx_v)
        pltpu.sync_copy(z_sh.at[qidx_v], h0_v.at[pl.ds(0, QC)])
        pltpu.sync_copy(h0_v.at[pl.ds(0, QC)],
                        num_hbm.at[cid, pl.ds(row * QC, QC)])
        return 0
    lax.fori_loop(0, Q_PER_TILE // QC, qchunk, 0)


def _sc_stage(h, p, dst, nodes):
    mesh = plsc.VectorSubcoreMesh(core_axis_name="c", subcore_axis_name="s")
    f = functools.partial(
        pl.kernel, mesh=mesh,
        compiler_params=pltpu.CompilerParams(needs_layout_passes=False),
        out_type=[
            jax.ShapeDtypeStruct((NC, N_QUERY, EMBED), jnp.float32),
            jax.ShapeDtypeStruct((NC, NS, N_QUERY), jnp.float32),
        ],
        scratch_types=[
            pltpu.VMEM((CHUNK, EMBED), jnp.float32),
            pltpu.VMEM((CHUNK, EMBED), jnp.float32),
            pltpu.VMEM((CHUNK,), jnp.int32),
            pltpu.VMEM((CHUNK,), jnp.int32),
            pltpu.VMEM((CHUNK,), jnp.float32),
            pltpu.VMEM((CHUNK,), jnp.float32),
            pltpu.VMEM((N_NODES_PAD,), jnp.float32),
            pltpu.VMEM((QC,), jnp.int32),
            pltpu.VMEM((N_QUERY,), jnp.float32),
            pltpu.VMEM_SHARED((N_NODES_PAD, EMBED), jnp.float32),
            pltpu.SemaphoreType.DMA,
            pltpu.SemaphoreType.DMA,
            pltpu.SemaphoreType.DMA,
            pltpu.SemaphoreType.DMA,
            pltpu.SemaphoreType.DMA,
            pltpu.SemaphoreType.DMA,
            pltpu.SemaphoreType.DMA,
            pltpu.SemaphoreType.DMA,
        ],
    )(_sc_body)
    return f(h, p, dst, nodes)


def _combine_body(num_ref, den_ref, out_ref):
    n = num_ref[0] + num_ref[1]
    d = jnp.sum(den_ref[...], axis=(0, 1))
    out_ref[...] = n / (d[:, None] + 1e-16)


def _combine_stage(num, den):
    QB = 512
    return pl.pallas_call(
        _combine_body,
        grid=(N_QUERY // QB,),
        in_specs=[
            pl.BlockSpec((NC, QB, EMBED), lambda i: (0, i, 0)),
            pl.BlockSpec((NC, NS, QB), lambda i: (0, 0, i)),
        ],
        out_specs=pl.BlockSpec((QB, EMBED), lambda i: (i, 0)),
        out_shape=jax.ShapeDtypeStruct((N_QUERY, EMBED), jnp.float32),
    )(num, den)


def kernel(nodes, edge_index, embed_u, rep, W1, b1, W2, b2, W3, b3):
    b1r = b1.reshape(1, EMBED)
    b2r = b2.reshape(1, EMBED)
    b3r = b3.reshape(1, 1)
    h, p, dst = _mlp_stage(embed_u, rep, W1, b1r, W2, b2r, W3, b3r,
                           edge_index.astype(jnp.int32))
    num, den = _sc_stage(h, p, dst, nodes.astype(jnp.int32))
    return _combine_stage(num, den)

# --- scband reference (transcript-rebuilt; emitter-appended) ---
"""Pipeline reference for scband-social-aggregator-13022340842207 (READ-ONLY COPY).

The authoritative reference and input builder live on the scoring server;
editing this copy changes nothing except your own understanding.
"""

import jax, jax.numpy as jnp
import numpy as np

N_NODES = 10000
N_EDGES = 320000
EMBED_DIM = 128
N_QUERY = 4096


def setup_inputs(seed: int = 0) -> dict:
    key = jax.random.key(seed)
    ks = jax.random.split(key, 8)
    nodes = jax.random.randint(ks[0], (N_QUERY,), 0, N_NODES, dtype=jnp.int64) if jax.config.jax_enable_x64 else jax.random.randint(ks[0], (N_QUERY,), 0, N_NODES).astype(jnp.int32)
    edge_index = jax.random.randint(ks[1], (2, N_EDGES), 0, N_NODES).astype(jnp.int32)
    embed_u = jax.random.normal(ks[2], (N_EDGES, EMBED_DIM), dtype=jnp.float32)
    rep = jax.random.normal(ks[3], (N_EDGES, EMBED_DIM), dtype=jnp.float32)
    s1 = 1.0 / np.sqrt(2 * EMBED_DIM)
    s2 = 1.0 / np.sqrt(EMBED_DIM)
    W1 = jax.random.normal(ks[4], (2 * EMBED_DIM, EMBED_DIM), dtype=jnp.float32) * s1
    b1 = jnp.zeros((EMBED_DIM,), dtype=jnp.float32)
    W2 = jax.random.normal(ks[5], (EMBED_DIM, EMBED_DIM), dtype=jnp.float32) * s2
    b2 = jnp.zeros((EMBED_DIM,), dtype=jnp.float32)
    W3 = jax.random.normal(ks[6], (EMBED_DIM, 1), dtype=jnp.float32) * s2
    b3 = jnp.zeros((1,), dtype=jnp.float32)
    return {"nodes": nodes, "edge_index": edge_index, "embed_u": embed_u, "rep": rep,
            "W1": W1, "b1": b1, "W2": W2, "b2": b2, "W3": W3, "b3": b3}


def _attention_mlp(embed_u, rep, W1, b1, W2, b2, W3, b3):
    # Attention(embed_dim): MLP on concatenated (neighbor_embed, node_rep) -> scalar score per edge
    x = jnp.concatenate([embed_u, rep], axis=1)
    x = jax.nn.relu(x @ W1 + b1)
    x = jax.nn.relu(x @ W2 + b2)
    return x @ W3 + b3  # [E, 1]


def _edge_softmax(scores, dst, num_nodes):
    # softmax over incoming edges grouped by destination node (DGL edge_softmax)
    smax = jax.ops.segment_max(scores, dst, num_segments=num_nodes)
    smax = jnp.where(jnp.isfinite(smax), smax, 0.0)
    e = jnp.exp(scores - smax[dst])
    ssum = jax.ops.segment_sum(e, dst, num_segments=num_nodes)
    return e / (ssum[dst] + 1e-16)


def reference(nodes, edge_index, embed_u, rep, W1, b1, W2, b2, W3, b3):
    dst = edge_index[1]
    attention = _attention_mlp(embed_u, rep, W1, b1, W2, b2, W3, b3)  # [E, 1]
    attention = _edge_softmax(attention, dst, N_NODES)               # [E, 1]
    h = embed_u * attention                                          # edata['h']
    n = jax.ops.segment_sum(h, dst, num_segments=N_NODES)            # copy_edge + sum reduce
    feat = n[nodes]                                                  # ndata['n'][nodes]
    return feat

if __name__ == "__main__":
    import jax
    _d = setup_inputs()
    print(jax.jit(kernel)(*tuple(_d.values())))

</pallas_src>

<mosaic_0001>
#map = affine_map<(d0, d1) -> (0, 0)>
#map1 = affine_map<(d0, d1) -> (0)>
#map2 = affine_map<(d0, d1) -> (0, 0, 0)>
module attributes {stable_mosaic.version = 14 : i64} {
  func.func @_sc_body(%arg0: i32, %arg1: i32, %arg2: memref<320000x128xf32, #tpu.memory_space<hbm>>, %arg3: memref<320000xf32, #tpu.memory_space<hbm>>, %arg4: memref<320000xi32, #tpu.memory_space<hbm>>, %arg5: memref<4096xi32, #tpu.memory_space<hbm>>, %arg6: memref<2x4096x128xf32, #tpu.memory_space<hbm>>, %arg7: memref<2x16x4096xf32, #tpu.memory_space<hbm>>, %arg8: memref<80x128xf32, #tpu.memory_space<vmem>>, %arg9: memref<80x128xf32, #tpu.memory_space<vmem>>, %arg10: memref<80xi32, #tpu.memory_space<vmem>>, %arg11: memref<80xi32, #tpu.memory_space<vmem>>, %arg12: memref<80xf32, #tpu.memory_space<vmem>>, %arg13: memref<80xf32, #tpu.memory_space<vmem>>, %arg14: memref<10240xf32, #tpu.memory_space<vmem>>, %arg15: memref<64xi32, #tpu.memory_space<vmem>>, %arg16: memref<4096xf32, #tpu.memory_space<vmem>>, %arg17: memref<10240x128xf32, #tpu.memory_space<vmem_shared>>, %arg18: memref<!tpu.dma_semaphore, #tpu.memory_space<semaphore_mem>>, %arg19: memref<!tpu.dma_semaphore, #tpu.memory_space<semaphore_mem>>, %arg20: memref<!tpu.dma_semaphore, #tpu.memory_space<semaphore_mem>>, %arg21: memref<!tpu.dma_semaphore, #tpu.memory_space<semaphore_mem>>, %arg22: memref<!tpu.dma_semaphore, #tpu.memory_space<semaphore_mem>>, %arg23: memref<!tpu.dma_semaphore, #tpu.memory_space<semaphore_mem>>, %arg24: memref<!tpu.dma_semaphore, #tpu.memory_space<semaphore_mem>>, %arg25: memref<!tpu.dma_semaphore, #tpu.memory_space<semaphore_mem>>) attributes {dimension_semantics = [#tpu.dimension_semantics<core_parallel>, #tpu.dimension_semantics<subcore_parallel>], iteration_bounds = array<i64: 2, 16>, scalar_prefetch = 0 : i64, scratch_operands = 18 : i64, tpu.core_type = #tpu.core_type<sc_vector_subcore>, window_params = [{transform_indices = #map}, {transform_indices = #map1}, {transform_indices = #map1}, {transform_indices = #map1}, {transform_indices = #map2}, {transform_indices = #map2}]} {
    %mul3A = arith.constant 2 : i32
    %mul3A_0 = arith.muli %arg1, %mul3A : i32
    %add3A = arith.addi %mul3A_0, %arg0 : i32
    %broadcast_in_dim3A = arith.constant 0.000000e+00 : f32
    %broadcast_in_dim3A_1 = vector.broadcast %broadcast_in_dim3A : f32 to vector<16xf32>
    %scan3A = arith.constant 0 : i32
    %scan3A_2 = arith.constant 0 : i32
    %scan3A_3 = arith.constant 80 : i32
    %scan3A_4 = arith.addi %scan3A_2, %scan3A_3 : i32
    %scan3A_5 = arith.constant 1 : i32
    %scan3A_6 = scf.for %scan3A_94 = %scan3A_2 to %scan3A_4 step %scan3A_5 iter_args(%scan3A_95 = %scan3A) -> (i32)  : i32 {
      %swap3A = arith.index_cast %scan3A_94 : i32 to index
      %swap3A_96 = arith.constant 0 : index
      %swap3A_97 = tpu.vector_load %arg8[%swap3A, %swap3A_96] {strides = array<i32>} : memref<80x128xf32, #tpu.memory_space<vmem>>, vector<16xf32>,
      tpu.vector_store %arg8[%swap3A, %swap3A_96], %broadcast_in_dim3A_1 {strides = array<i32>} : memref<80x128xf32, #tpu.memory_space<vmem>>, vector<16xf32>,
      %swap3A_98 = arith.index_cast %scan3A_94 : i32 to index
      %swap3A_99 = arith.constant 16 : index
      %swap3A_100 = tpu.vector_load %arg8[%swap3A_98, %swap3A_99] {strides = array<i32>} : memref<80x128xf32, #tpu.memory_space<vmem>>, vector<16xf32>,
      tpu.vector_store %arg8[%swap3A_98, %swap3A_99], %broadcast_in_dim3A_1 {strides = array<i32>} : memref<80x128xf32, #tpu.memory_space<vmem>>, vector<16xf32>,
      %swap3A_101 = arith.index_cast %scan3A_94 : i32 to index
      %swap3A_102 = arith.constant 32 : index
      %swap3A_103 = tpu.vector_load %arg8[%swap3A_101, %swap3A_102] {strides = array<i32>} : memref<80x128xf32, #tpu.memory_space<vmem>>, vector<16xf32>,
      tpu.vector_store %arg8[%swap3A_101, %swap3A_102], %broadcast_in_dim3A_1 {strides = array<i32>} : memref<80x128xf32, #tpu.memory_space<vmem>>, vector<16xf32>,
      %swap3A_104 = arith.index_cast %scan3A_94 : i32 to index
      %swap3A_105 = arith.constant 48 : index
      %swap3A_106 = tpu.vector_load %arg8[%swap3A_104, %swap3A_105] {strides = array<i32>} : memref<80x128xf32, #tpu.memory_space<vmem>>, vector<16xf32>,
      tpu.vector_store %arg8[%swap3A_104, %swap3A_105], %broadcast_in_dim3A_1 {strides = array<i32>} : memref<80x128xf32, #tpu.memory_space<vmem>>, vector<16xf32>,
      %swap3A_107 = arith.index_cast %scan3A_94 : i32 to index
      %swap3A_108 = arith.constant 64 : index
      %swap3A_109 = tpu.vector_load %arg8[%swap3A_107, %swap3A_108] {strides = array<i32>} : memref<80x128xf32, #tpu.memory_space<vmem>>, vector<16xf32>,
      tpu.vector_store %arg8[%swap3A_107, %swap3A_108], %broadcast_in_dim3A_1 {strides = array<i32>} : memref<80x128xf32, #tpu.memory_space<vmem>>, vector<16xf32>,
      %swap3A_110 = arith.index_cast %scan3A_94 : i32 to index
      %swap3A_111 = arith.constant 80 : index
      %swap3A_112 = tpu.vector_load %arg8[%swap3A_110, %swap3A_111] {strides = array<i32>} : memref<80x128xf32, #tpu.memory_space<vmem>>, vector<16xf32>,
      tpu.vector_store %arg8[%swap3A_110, %swap3A_111], %broadcast_in_dim3A_1 {strides = array<i32>} : memref<80x128xf32, #tpu.memory_space<vmem>>, vector<16xf32>,
      %swap3A_113 = arith.index_cast %scan3A_94 : i32 to index
      %swap3A_114 = arith.constant 96 : index
      %swap3A_115 = tpu.vector_load %arg8[%swap3A_113, %swap3A_114] {strides = array<i32>} : memref<80x128xf32, #tpu.memory_space<vmem>>, vector<16xf32>,
      tpu.vector_store %arg8[%swap3A_113, %swap3A_114], %broadcast_in_dim3A_1 {strides = array<i32>} : memref<80x128xf32, #tpu.memory_space<vmem>>, vector<16xf32>,
      %swap3A_116 = arith.index_cast %scan3A_94 : i32 to index
      %swap3A_117 = arith.constant 112 : index
      %swap3A_118 = tpu.vector_load %arg8[%swap3A_116, %swap3A_117] {strides = array<i32>} : memref<80x128xf32, #tpu.memory_space<vmem>>, vector<16xf32>,
      tpu.vector_store %arg8[%swap3A_116, %swap3A_117], %broadcast_in_dim3A_1 {strides = array<i32>} : memref<80x128xf32, #tpu.memory_space<vmem>>, vector<16xf32>,
      %scan3A_119 = arith.constant 0 : i32
      scf.yield %scan3A_119 : i32
    }
    %scan3A_7 = arith.constant 80 : i32
    %scan3A_8 = arith.constant 0 : i32
    %scan3A_9 = arith.constant 0 : i32
    %scan3A_10 = arith.constant 640 : i32
    %scan3A_11 = arith.addi %scan3A_9, %scan3A_10 : i32
    %scan3A_12 = arith.constant 1 : i32
    %scan3A_13 = scf.for %scan3A_94 = %scan3A_9 to %scan3A_11 step %scan3A_12 iter_args(%scan3A_95 = %scan3A_8) -> (i32)  : i32 {
      %mul3A_96 = arith.constant 16 : i32
      %mul3A_97 = arith.muli %scan3A_94, %mul3A_96 : i32
      %swap3A = arith.index_cast %mul3A_97 : i32 to index
      %swap3A_98 = tpu.vector_load %arg14[%swap3A] {strides = array<i32>} : memref<10240xf32, #tpu.memory_space<vmem>>, vector<16xf32>,
      tpu.vector_store %arg14[%swap3A], %broadcast_in_dim3A_1 {strides = array<i32>} : memref<10240xf32, #tpu.memory_space<vmem>>, vector<16xf32>,
      %scan3A_99 = arith.constant 0 : i32
      scf.yield %scan3A_99 : i32
    }
    %scan3A_14 = arith.constant 640 : i32
    %scan3A_15 = arith.constant 0 : i32
    %scan3A_16 = arith.constant 0 : i32
    %scan3A_17 = arith.constant 8 : i32
    %scan3A_18 = arith.addi %scan3A_16, %scan3A_17 : i32
    %scan3A_19 = arith.constant 1 : i32
    %scan3A_20 = scf.for %scan3A_94 = %scan3A_16 to %scan3A_18 step %scan3A_19 iter_args(%scan3A_95 = %scan3A_15) -> (i32)  : i32 {
      %mul3A_96 = arith.constant 640 : i32
      %mul3A_97 = arith.muli %arg1, %mul3A_96 : i32
      %mul3A_98 = arith.constant 80 : i32
      %mul3A_99 = arith.muli %scan3A_94, %mul3A_98 : i32
      %add3A_100 = arith.addi %mul3A_97, %mul3A_99 : i32
      "tpu.region"() ({
        %run_scoped3A = tpu.sem_alloc : memref<!tpu.dma_semaphore, #tpu.memory_space<semaphore_mem>>
        %dma_start3A_102 = arith.constant 0 : i32
        %dma_start3A_103 = tpu.memref_slice %arg17[%add3A_100, %dma_start3A_102] : memref<10240x128xf32, #tpu.memory_space<vmem_shared>> -> memref<80x128xf32, #tpu.memory_space<vmem_shared>>
        %dma_start3A_104 = arith.constant 0 : i32
        %dma_start3A_105 = tpu.memref_slice %arg17[%add3A_100, %dma_start3A_104] : memref<10240x128xf32, #tpu.memory_space<vmem_shared>> -> memref<80x128xf32, #tpu.memory_space<vmem_shared>>
        tpu.enqueue_dma source(%arg8 : memref<80x128xf32, #tpu.memory_space<vmem>>) target(%dma_start3A_105 : memref<80x128xf32, #tpu.memory_space<vmem_shared>>) target_semaphore(%run_scoped3A : memref<!tpu.dma_semaphore, #tpu.memory_space<semaphore_mem>>)
        %dma_wait3A_106 = arith.constant 0 : i32
        %dma_wait3A_107 = tpu.memref_slice %arg17[%add3A_100, %dma_wait3A_106] : memref<10240x128xf32, #tpu.memory_space<vmem_shared>> -> memref<80x128xf32, #tpu.memory_space<vmem_shared>>
        %dma_wait3A_108 = arith.constant 0 : i32
        %dma_wait3A_109 = tpu.memref_slice %arg17[%add3A_100, %dma_wait3A_108] : memref<10240x128xf32, #tpu.memory_space<vmem_shared>> -> memref<80x128xf32, #tpu.memory_space<vmem_shared>>
        tpu.wait_dma2 semaphore(%run_scoped3A : memref<!tpu.dma_semaphore, #tpu.memory_space<semaphore_mem>>) src(%arg8 : memref<80x128xf32, #tpu.memory_space<vmem>>) dst(%dma_wait3A_109 : memref<80x128xf32, #tpu.memory_space<vmem_shared>>)
        tpu.yield
      }) : () -> ()
      %scan3A_101 = arith.constant 0 : i32
      scf.yield %scan3A_101 : i32
    }
    %scan3A_21 = arith.constant 8 : i32
    %barrier3A = arith.constant 0 : index
    tpu.barrier barrier_id(%barrier3A)
    %mul3A_22 = arith.constant 10000 : i32
    %mul3A_23 = arith.muli %add3A, %mul3A_22 : i32
    %add3A_24 = arith.constant 0 : i32
    %add3A_25 = arith.addi %mul3A_23, %add3A_24 : i32
    %dma_start3A = arith.constant 0 : i32
    %dma_start3A_26 = tpu.memref_slice %arg2[%add3A_25, %dma_start3A] : memref<320000x128xf32, #tpu.memory_space<hbm>> -> memref<80x128xf32, #tpu.memory_space<hbm>>
    %dma_start3A_27 = arith.constant 0 : i32
    %dma_start3A_28 = tpu.memref_slice %arg2[%add3A_25, %dma_start3A_27] : memref<320000x128xf32, #tpu.memory_space<hbm>> -> memref<80x128xf32, #tpu.memory_space<hbm>>
    tpu.enqueue_dma source(%dma_start3A_28 : memref<80x128xf32, #tpu.memory_space<hbm>>) target(%arg8 : memref<80x128xf32, #tpu.memory_space<vmem>>) target_semaphore(%arg18 : memref<!tpu.dma_semaphore, #tpu.memory_space<semaphore_mem>>)
    %dma_start3A_29 = tpu.memref_slice %arg4[%add3A_25] : memref<320000xi32, #tpu.memory_space<hbm>> -> memref<80xi32, #tpu.memory_space<hbm>>
    %dma_start3A_30 = tpu.memref_slice %arg4[%add3A_25] : memref<320000xi32, #tpu.memory_space<hbm>> -> memref<80xi32, #tpu.memory_space<hbm>>
    tpu.enqueue_dma source(%dma_start3A_30 : memref<80xi32, #tpu.memory_space<hbm>>) target(%arg10 : memref<80xi32, #tpu.memory_space<vmem>>) target_semaphore(%arg20 : memref<!tpu.dma_semaphore, #tpu.memory_space<semaphore_mem>>)
    %dma_start3A_31 = tpu.memref_slice %arg3[%add3A_25] : memref<320000xf32, #tpu.memory_space<hbm>> -> memref<80xf32, #tpu.memory_space<hbm>>
    %dma_start3A_32 = tpu.memref_slice %arg3[%add3A_25] : memref<320000xf32, #tpu.memory_space<hbm>> -> memref<80xf32, #tpu.memory_space<hbm>>
    tpu.enqueue_dma source(%dma_start3A_32 : memref<80xf32, #tpu.memory_space<hbm>>) target(%arg12 : memref<80xf32, #tpu.memory_space<vmem>>) target_semaphore(%arg22 : memref<!tpu.dma_semaphore, #tpu.memory_space<semaphore_mem>>)
    %scan3A_33 = arith.constant 0 : i32
    %scan3A_34 = arith.constant 0 : i32
    %scan3A_35 = arith.constant 62 : i32
    %scan3A_36 = arith.addi %scan3A_34, %scan3A_35 : i32
    %scan3A_37 = arith.constant 1 : i32
    %scan3A_38 = scf.for %scan3A_94 = %scan3A_34 to %scan3A_36 step %scan3A_37 iter_args(%scan3A_95 = %scan3A_33) -> (i32)  : i32 {
      %mul3A_96 = arith.constant 2 : i32
      %mul3A_97 = arith.muli %mul3A_96, %scan3A_94 : i32
      %mul3A_98 = arith.constant 10000 : i32
      %mul3A_99 = arith.muli %add3A, %mul3A_98 : i32
      %mul3A_100 = arith.constant 80 : i32
      %mul3A_101 = arith.muli %mul3A_97, %mul3A_100 : i32
      %add3A_102 = arith.addi %mul3A_99, %mul3A_101 : i32
      %dma_wait3A_103 = arith.constant 0 : i32
      %dma_wait3A_104 = tpu.memref_slice %arg2[%add3A_102, %dma_wait3A_103] : memref<320000x128xf32, #tpu.memory_space<hbm>> -> memref<80x128xf32, #tpu.memory_space<hbm>>
      %dma_wait3A_105 = arith.constant 0 : i32
      %dma_wait3A_106 = tpu.memref_slice %arg2[%add3A_102, %dma_wait3A_105] : memref<320000x128xf32, #tpu.memory_space<hbm>> -> memref<80x128xf32, #tpu.memory_space<hbm>>
      tpu.wait_dma2 semaphore(%arg18 : memref<!tpu.dma_semaphore, #tpu.memory_space<semaphore_mem>>) src(%dma_wait3A_106 : memref<80x128xf32, #tpu.memory_space<hbm>>) dst(%arg8 : memref<80x128xf32, #tpu.memory_space<vmem>>)
      %dma_wait3A_107 = tpu.memref_slice %arg4[%add3A_102] : memref<320000xi32, #tpu.memory_space<hbm>> -> memref<80xi32, #tpu.memory_space<hbm>>
      %dma_wait3A_108 = tpu.memref_slice %arg4[%add3A_102] : memref<320000xi32, #tpu.memory_space<hbm>> -> memref<80xi32, #tpu.memory_space<hbm>>
      tpu.wait_dma2 semaphore(%arg20 : memref<!tpu.dma_semaphore, #tpu.memory_space<semaphore_mem>>) src(%dma_wait3A_108 : memref<80xi32, #tpu.memory_space<hbm>>) dst(%arg10 : memref<80xi32, #tpu.memory_space<vmem>>)
      %dma_wait3A_109 = tpu.memref_slice %arg3[%add3A_102] : memref<320000xf32, #tpu.memory_space<hbm>> -> memref<80xf32, #tpu.memory_space<hbm>>
      %dma_wait3A_110 = tpu.memref_slice %arg3[%add3A_102] : memref<320000xf32, #tpu.memory_space<hbm>> -> memref<80xf32, #tpu.memory_space<hbm>>
      tpu.wait_dma2 semaphore(%arg22 : memref<!tpu.dma_semaphore, #tpu.memory_space<semaphore_mem>>) src(%dma_wait3A_110 : memref<80xf32, #tpu.memory_space<hbm>>) dst(%arg12 : memref<80xf32, #tpu.memory_space<vmem>>)
      %gt3A = arith.constant 0 : i32
      %gt3A_111 = arith.cmpi sgt, %scan3A_94, %gt3A : i32
      %convert_element_type3A = arith.extui %gt3A_111 : i1 to i32
      %cond3A = arith.constant 0 : i32
      %cond3A_112 = arith.cmpi ne, %convert_element_type3A, %cond3A : i32
      scf.if %cond3A_112 {
        %dma_wait3A_208 = arith.constant 0 : i32
        %dma_wait3A_209 = arith.constant 0 : i32
        %dma_wait3A_210 = tpu.memref_slice %arg17[%dma_wait3A_208, %dma_wait3A_209] : memref<10240x128xf32, #tpu.memory_space<vmem_shared>> -> memref<10240x128xf32, #tpu.memory_space<vmem_shared>>
        tpu.wait_indirect_dma semaphore(%arg25 : memref<!tpu.dma_semaphore, #tpu.memory_space<semaphore_mem>>) src(%arg9 : memref<80x128xf32, #tpu.memory_space<vmem>>) dst(%dma_wait3A_210 : memref<10240x128xf32, #tpu.memory_space<vmem_shared>>)
      } else {
      }
      %add3A_113 = arith.constant 1 : i32
      %add3A_114 = arith.addi %mul3A_97, %add3A_113 : i32
      %mul3A_115 = arith.constant 10000 : i32
      %mul3A_116 = arith.muli %add3A, %mul3A_115 : i32
      %mul3A_117 = arith.constant 80 : i32
      %mul3A_118 = arith.muli %add3A_114, %mul3A_117 : i32
      %add3A_119 = arith.addi %mul3A_116, %mul3A_118 : i32
      %dma_start3A_120 = arith.constant 0 : i32
      %dma_start3A_121 = tpu.memref_slice %arg2[%add3A_119, %dma_start3A_120] : memref<320000x128xf32, #tpu.memory_space<hbm>> -> memref<80x128xf32, #tpu.memory_space<hbm>>
      %dma_start3A_122 = arith.constant 0 : i32
      %dma_start3A_123 = tpu.memref_slice %arg2[%add3A_119, %dma_start3A_122] : memref<320000x128xf32, #tpu.memory_space<hbm>> -> memref<80x128xf32, #tpu.memory_space<hbm>>
      tpu.enqueue_dma source(%dma_start3A_123 : memref<80x128xf32, #tpu.memory_space<hbm>>) target(%arg9 : memref<80x128xf32, #tpu.memory_space<vmem>>) target_semaphore(%arg19 : memref<!tpu.dma_semaphore, #tpu.memory_space<semaphore_mem>>)
      %dma_start3A_124 = tpu.memref_slice %arg4[%add3A_119] : memref<320000xi32, #tpu.memory_space<hbm>> -> memref<80xi32, #tpu.memory_space<hbm>>
      %dma_start3A_125 = tpu.memref_slice %arg4[%add3A_119] : memref<320000xi32, #tpu.memory_space<hbm>> -> memref<80xi32, #tpu.memory_space<hbm>>
      tpu.enqueue_dma source(%dma_start3A_125 : memref<80xi32, #tpu.memory_space<hbm>>) target(%arg11 : memref<80xi32, #tpu.memory_space<vmem>>) target_semaphore(%arg21 : memref<!tpu.dma_semaphore, #tpu.memory_space<semaphore_mem>>)
      %dma_start3A_126 = tpu.memref_slice %arg3[%add3A_119] : memref<320000xf32, #tpu.memory_space<hbm>> -> memref<80xf32, #tpu.memory_space<hbm>>
      %dma_start3A_127 = tpu.memref_slice %arg3[%add3A_119] : memref<320000xf32, #tpu.memory_space<hbm>> -> memref<80xf32, #tpu.memory_space<hbm>>
      tpu.enqueue_dma source(%dma_start3A_127 : memref<80xf32, #tpu.memory_space<hbm>>) target(%arg13 : memref<80xf32, #tpu.memory_space<vmem>>) target_semaphore(%arg23 : memref<!tpu.dma_semaphore, #tpu.memory_space<semaphore_mem>>)
      %dma_start3A_128 = arith.constant 0 : i32
      %dma_start3A_129 = arith.constant 0 : i32
      %dma_start3A_130 = tpu.memref_slice %arg17[%dma_start3A_128, %dma_start3A_129] : memref<10240x128xf32, #tpu.memory_space<vmem_shared>> -> memref<10240x128xf32, #tpu.memory_space<vmem_shared>>
      tpu.enqueue_indirect_dma source(%arg8 : memref<80x128xf32, #tpu.memory_space<vmem>>) target(%dma_start3A_130 : memref<10240x128xf32, #tpu.memory_space<vmem_shared>>) offsets(%arg10 : memref<80xi32, #tpu.memory_space<vmem>>) semaphore(%arg24 : memref<!tpu.dma_semaphore, #tpu.memory_space<semaphore_mem>>) {add = true}
      %get3A_131 = arith.constant 0 : index
      %get3A_132 = tpu.vector_load %arg10[%get3A_131] {strides = array<i32>} : memref<80xi32, #tpu.memory_space<vmem>>, vector<16xi32>,
      %get3A_133 = arith.constant 0 : index
      %get3A_134 = tpu.vector_load %arg12[%get3A_133] {strides = array<i32>} : memref<80xf32, #tpu.memory_space<vmem>>, vector<16xf32>,
      tpu.vector_store_idx %arg14[%get3A_132], %get3A_134 {add = true} : memref<10240xf32, #tpu.memory_space<vmem>>[vector<16xi32>], vector<16xf32>,
      %get3A_135 = arith.constant 16 : index
      %get3A_136 = tpu.vector_load %arg10[%get3A_135] {strides = array<i32>} : memref<80xi32, #tpu.memory_space<vmem>>, vector<16xi32>,
      %get3A_137 = arith.constant 16 : index
      %get3A_138 = tpu.vector_load %arg12[%get3A_137] {strides = array<i32>} : memref<80xf32, #tpu.memory_space<vmem>>, vector<16xf32>,
      tpu.vector_store_idx %arg14[%get3A_136], %get3A_138 {add = true} : memref<10240xf32, #tpu.memory_space<vmem>>[vector<16xi32>], vector<16xf32>,
      %get3A_139 = arith.constant 32 : index
      %get3A_140 = tpu.vector_load %arg10[%get3A_139] {strides = array<i32>} : memref<80xi32, #tpu.memory_space<vmem>>, vector<16xi32>,
      %get3A_141 = arith.constant 32 : index
      %get3A_142 = tpu.vector_load %arg12[%get3A_141] {strides = array<i32>} : memref<80xf32, #tpu.memory_space<vmem>>, vector<16xf32>,
      tpu.vector_store_idx %arg14[%get3A_140], %get3A_142 {add = true} : memref<10240xf32, #tpu.memory_space<vmem>>[vector<16xi32>], vector<16xf32>,
      %get3A_143 = arith.constant 48 : index
      %get3A_144 = tpu.vector_load %arg10[%get3A_143] {strides = array<i32>} : memref<80xi32, #tpu.memory_space<vmem>>, vector<16xi32>,
      %get3A_145 = arith.constant 48 : index
      %get3A_146 = tpu.vector_load %arg12[%get3A_145] {strides = array<i32>} : memref<80xf32, #tpu.memory_space<vmem>>, vector<16xf32>,
      tpu.vector_store_idx %arg14[%get3A_144], %get3A_146 {add = true} : memref<10240xf32, #tpu.memory_space<vmem>>[vector<16xi32>], vector<16xf32>,
      %get3A_147 = arith.constant 64 : index
      %get3A_148 = tpu.vector_load %arg10[%get3A_147] {strides = array<i32>} : memref<80xi32, #tpu.memory_space<vmem>>, vector<16xi32>,
      %get3A_149 = arith.constant 64 : index
      %get3A_150 = tpu.vector_load %arg12[%get3A_149] {strides = array<i32>} : memref<80xf32, #tpu.memory_space<vmem>>, vector<16xf32>,
      tpu.vector_store_idx %arg14[%get3A_148], %get3A_150 {add = true} : memref<10240xf32, #tpu.memory_space<vmem>>[vector<16xi32>], vector<16xf32>,
      %add3A_151 = arith.constant 1 : i32
      %add3A_152 = arith.addi %mul3A_97, %add3A_151 : i32
      %mul3A_153 = arith.constant 10000 : i32
      %mul3A_154 = arith.muli %add3A, %mul3A_153 : i32
      %mul3A_155 = arith.constant 80 : i32
      %mul3A_156 = arith.muli %add3A_152, %mul3A_155 : i32
      %add3A_157 = arith.addi %mul3A_154, %mul3A_156 : i32
      %dma_wait3A_158 = arith.constant 0 : i32
      %dma_wait3A_159 = tpu.memref_slice %arg2[%add3A_157, %dma_wait3A_158] : memref<320000x128xf32, #tpu.memory_space<hbm>> -> memref<80x128xf32, #tpu.memory_space<hbm>>
      %dma_wait3A_160 = arith.constant 0 : i32
      %dma_wait3A_161 = tpu.memref_slice %arg2[%add3A_157, %dma_wait3A_160] : memref<320000x128xf32, #tpu.memory_space<hbm>> -> memref<80x128xf32, #tpu.memory_space<hbm>>
      tpu.wait_dma2 semaphore(%arg19 : memref<!tpu.dma_semaphore, #tpu.memory_space<semaphore_mem>>) src(%dma_wait3A_161 : memref<80x128xf32, #tpu.memory_space<hbm>>) dst(%arg9 : memref<80x128xf32, #tpu.memory_space<vmem>>)
      %dma_wait3A_162 = tpu.memref_slice %arg4[%add3A_157] : memref<320000xi32, #tpu.memory_space<hbm>> -> memref<80xi32, #tpu.memory_space<hbm>>
      %dma_wait3A_163 = tpu.memref_slice %arg4[%add3A_157] : memref<320000xi32, #tpu.memory_space<hbm>> -> memref<80xi32, #tpu.memory_space<hbm>>
      tpu.wait_dma2 semaphore(%arg21 : memref<!tpu.dma_semaphore, #tpu.memory_space<semaphore_mem>>) src(%dma_wait3A_163 : memref<80xi32, #tpu.memory_space<hbm>>) dst(%arg11 : memref<80xi32, #tpu.memory_space<vmem>>)
      %dma_wait3A_164 = tpu.memref_slice %arg3[%add3A_157] : memref<320000xf32, #tpu.memory_space<hbm>> -> memref<80xf32, #tpu.memory_space<hbm>>
      %dma_wait3A_165 = tpu.memref_slice %arg3[%add3A_157] : memref<320000xf32, #tpu.memory_space<hbm>> -> memref<80xf32, #tpu.memory_space<hbm>>
      tpu.wait_dma2 semaphore(%arg23 : memref<!tpu.dma_semaphore, #tpu.memory_space<semaphore_mem>>) src(%dma_wait3A_165 : memref<80xf32, #tpu.memory_space<hbm>>) dst(%arg13 : memref<80xf32, #tpu.memory_space<vmem>>)
      %dma_wait3A_166 = arith.constant 0 : i32
      %dma_wait3A_167 = arith.constant 0 : i32
      %dma_wait3A_168 = tpu.memref_slice %arg17[%dma_wait3A_166, %dma_wait3A_167] : memref<10240x128xf32, #tpu.memory_space<vmem_shared>> -> memref<10240x128xf32, #tpu.memory_space<vmem_shared>>
      tpu.wait_indirect_dma semaphore(%arg24 : memref<!tpu.dma_semaphore, #tpu.memory_space<semaphore_mem>>) src(%arg8 : memref<80x128xf32, #tpu.memory_space<vmem>>) dst(%dma_wait3A_168 : memref<10240x128xf32, #tpu.memory_space<vmem_shared>>)
      %add3A_169 = arith.constant 2 : i32
      %add3A_170 = arith.addi %mul3A_97, %add3A_169 : i32
      %mul3A_171 = arith.constant 10000 : i32
      %mul3A_172 = arith.muli %add3A, %mul3A_171 : i32
      %mul3A_173 = arith.constant 80 : i32
      %mul3A_174 = arith.muli %add3A_170, %mul3A_173 : i32
      %add3A_175 = arith.addi %mul3A_172, %mul3A_174 : i32
      %dma_start3A_176 = arith.constant 0 : i32
      %dma_start3A_177 = tpu.memref_slice %arg2[%add3A_175, %dma_start3A_176] : memref<320000x128xf32, #tpu.memory_space<hbm>> -> memref<80x128xf32, #tpu.memory_space<hbm>>
      %dma_start3A_178 = arith.constant 0 : i32
      %dma_start3A_179 = tpu.memref_slice %arg2[%add3A_175, %dma_start3A_178] : memref<320000x128xf32, #tpu.memory_space<hbm>> -> memref<80x128xf32, #tpu.memory_space<hbm>>
      tpu.enqueue_dma source(%dma_start3A_179 : memref<80x128xf32, #tpu.memory_space<hbm>>) target(%arg8 : memref<80x128xf32, #tpu.memory_space<vmem>>) target_semaphore(%arg18 : memref<!tpu.dma_semaphore, #tpu.memory_space<semaphore_mem>>)
      %dma_start3A_180 = tpu.memref_slice %arg4[%add3A_175] : memref<320000xi32, #tpu.memory_space<hbm>> -> memref<80xi32, #tpu.memory_space<hbm>>
      %dma_start3A_181 = tpu.memref_slice %arg4[%add3A_175] : memref<320000xi32, #tpu.memory_space<hbm>> -> memref<80xi32, #tpu.memory_space<hbm>>
      tpu.enqueue_dma source(%dma_start3A_181 : memref<80xi32, #tpu.memory_space<hbm>>) target(%arg10 : memref<80xi32, #tpu.memory_space<vmem>>) target_semaphore(%arg20 : memref<!tpu.dma_semaphore, #tpu.memory_space<semaphore_mem>>)
      %dma_start3A_182 = tpu.memref_slice %arg3[%add3A_175] : memref<320000xf32, #tpu.memory_space<hbm>> -> memref<80xf32, #tpu.memory_space<hbm>>
      %dma_start3A_183 = tpu.memref_slice %arg3[%add3A_175] : memref<320000xf32, #tpu.memory_space<hbm>> -> memref<80xf32, #tpu.memory_space<hbm>>
      tpu.enqueue_dma source(%dma_start3A_183 : memref<80xf32, #tpu.memory_space<hbm>>) target(%arg12 : memref<80xf32, #tpu.memory_space<vmem>>) target_semaphore(%arg22 : memref<!tpu.dma_semaphore, #tpu.memory_space<semaphore_mem>>)
      %dma_start3A_184 = arith.constant 0 : i32
      %dma_start3A_185 = arith.constant 0 : i32
      %dma_start3A_186 = tpu.memref_slice %arg17[%dma_start3A_184, %dma_start3A_185] : memref<10240x128xf32, #tpu.memory_space<vmem_shared>> -> memref<10240x128xf32, #tpu.memory_space<vmem_shared>>
      tpu.enqueue_indirect_dma source(%arg9 : memref<80x128xf32, #tpu.memory_space<vmem>>) target(%dma_start3A_186 : memref<10240x128xf32, #tpu.memory_space<vmem_shared>>) offsets(%arg11 : memref<80xi32, #tpu.memory_space<vmem>>) semaphore(%arg25 : memref<!tpu.dma_semaphore, #tpu.memory_space<semaphore_mem>>) {add = true}
      %get3A_187 = arith.constant 0 : index
      %get3A_188 = tpu.vector_load %arg11[%get3A_187] {strides = array<i32>} : memref<80xi32, #tpu.memory_space<vmem>>, vector<16xi32>,
      %get3A_189 = arith.constant 0 : index
      %get3A_190 = tpu.vector_load %arg13[%get3A_189] {strides = array<i32>} : memref<80xf32, #tpu.memory_space<vmem>>, vector<16xf32>,
      tpu.vector_store_idx %arg14[%get3A_188], %get3A_190 {add = true} : memref<10240xf32, #tpu.memory_space<vmem>>[vector<16xi32>], vector<16xf32>,
      %get3A_191 = arith.constant 16 : index
      %get3A_192 = tpu.vector_load %arg11[%get3A_191] {strides = array<i32>} : memref<80xi32, #tpu.memory_space<vmem>>, vector<16xi32>,
      %get3A_193 = arith.constant 16 : index
      %get3A_194 = tpu.vector_load %arg13[%get3A_193] {strides = array<i32>} : memref<80xf32, #tpu.memory_space<vmem>>, vector<16xf32>,
      tpu.vector_store_idx %arg14[%get3A_192], %get3A_194 {add = true} : memref<10240xf32, #tpu.memory_space<vmem>>[vector<16xi32>], vector<16xf32>,
      %get3A_195 = arith.constant 32 : index
      %get3A_196 = tpu.vector_load %arg11[%get3A_195] {strides = array<i32>} : memref<80xi32, #tpu.memory_space<vmem>>, vector<16xi32>,
      %get3A_197 = arith.constant 32 : index
      %get3A_198 = tpu.vector_load %arg13[%get3A_197] {strides = array<i32>} : memref<80xf32, #tpu.memory_space<vmem>>, vector<16xf32>,
      tpu.vector_store_idx %arg14[%get3A_196], %get3A_198 {add = true} : memref<10240xf32, #tpu.memory_space<vmem>>[vector<16xi32>], vector<16xf32>,
      %get3A_199 = arith.constant 48 : index
      %get3A_200 = tpu.vector_load %arg11[%get3A_199] {strides = array<i32>} : memref<80xi32, #tpu.memory_space<vmem>>, vector<16xi32>,
      %get3A_201 = arith.constant 48 : index
      %get3A_202 = tpu.vector_load %arg13[%get3A_201] {strides = array<i32>} : memref<80xf32, #tpu.memory_space<vmem>>, vector<16xf32>,
      tpu.vector_store_idx %arg14[%get3A_200], %get3A_202 {add = true} : memref<10240xf32, #tpu.memory_space<vmem>>[vector<16xi32>], vector<16xf32>,
      %get3A_203 = arith.constant 64 : index
      %get3A_204 = tpu.vector_load %arg11[%get3A_203] {strides = array<i32>} : memref<80xi32, #tpu.memory_space<vmem>>, vector<16xi32>,
      %get3A_205 = arith.constant 64 : index
      %get3A_206 = tpu.vector_load %arg13[%get3A_205] {strides = array<i32>} : memref<80xf32, #tpu.memory_space<vmem>>, vector<16xf32>,
      tpu.vector_store_idx %arg14[%get3A_204], %get3A_206 {add = true} : memref<10240xf32, #tpu.memory_space<vmem>>[vector<16xi32>], vector<16xf32>,
      %scan3A_207 = arith.constant 0 : i32
      scf.yield %scan3A_207 : i32
    }
    %scan3A_39 = arith.constant 62 : i32
    %dma_wait3A = arith.constant 0 : i32
    %dma_wait3A_40 = arith.constant 0 : i32
    %dma_wait3A_41 = tpu.memref_slice %arg17[%dma_wait3A, %dma_wait3A_40] : memref<10240x128xf32, #tpu.memory_space<vmem_shared>> -> memref<10240x128xf32, #tpu.memory_space<vmem_shared>>
    tpu.wait_indirect_dma semaphore(%arg25 : memref<!tpu.dma_semaphore, #tpu.memory_space<semaphore_mem>>) src(%arg9 : memref<80x128xf32, #tpu.memory_space<vmem>>) dst(%dma_wait3A_41 : memref<10240x128xf32, #tpu.memory_space<vmem_shared>>)
    %mul3A_42 = arith.constant 10000 : i32
    %mul3A_43 = arith.muli %add3A, %mul3A_42 : i32
    %add3A_44 = arith.constant 9920 : i32
    %add3A_45 = arith.addi %mul3A_43, %add3A_44 : i32
    %dma_wait3A_46 = arith.constant 0 : i32
    %dma_wait3A_47 = tpu.memref_slice %arg2[%add3A_45, %dma_wait3A_46] : memref<320000x128xf32, #tpu.memory_space<hbm>> -> memref<80x128xf32, #tpu.memory_space<hbm>>
    %dma_wait3A_48 = arith.constant 0 : i32
    %dma_wait3A_49 = tpu.memref_slice %arg2[%add3A_45, %dma_wait3A_48] : memref<320000x128xf32, #tpu.memory_space<hbm>> -> memref<80x128xf32, #tpu.memory_space<hbm>>
    tpu.wait_dma2 semaphore(%arg18 : memref<!tpu.dma_semaphore, #tpu.memory_space<semaphore_mem>>) src(%dma_wait3A_49 : memref<80x128xf32, #tpu.memory_space<hbm>>) dst(%arg8 : memref<80x128xf32, #tpu.memory_space<vmem>>)
    %dma_wait3A_50 = tpu.memref_slice %arg4[%add3A_45] : memref<320000xi32, #tpu.memory_space<hbm>> -> memref<80xi32, #tpu.memory_space<hbm>>
    %dma_wait3A_51 = tpu.memref_slice %arg4[%add3A_45] : memref<320000xi32, #tpu.memory_space<hbm>> -> memref<80xi32, #tpu.memory_space<hbm>>
    tpu.wait_dma2 semaphore(%arg20 : memref<!tpu.dma_semaphore, #tpu.memory_space<semaphore_mem>>) src(%dma_wait3A_51 : memref<80xi32, #tpu.memory_space<hbm>>) dst(%arg10 : memref<80xi32, #tpu.memory_space<vmem>>)
    %dma_wait3A_52 = tpu.memref_slice %arg3[%add3A_45] : memref<320000xf32, #tpu.memory_space<hbm>> -> memref<80xf32, #tpu.memory_space<hbm>>
    %dma_wait3A_53 = tpu.memref_slice %arg3[%add3A_45] : memref<320000xf32, #tpu.memory_space<hbm>> -> memref<80xf32, #tpu.memory_space<hbm>>
    tpu.wait_dma2 semaphore(%arg22 : memref<!tpu.dma_semaphore, #tpu.memory_space<semaphore_mem>>) src(%dma_wait3A_53 : memref<80xf32, #tpu.memory_space<hbm>>) dst(%arg12 : memref<80xf32, #tpu.memory_space<vmem>>)
    %dma_start3A_54 = arith.constant 0 : i32
    %dma_start3A_55 = arith.constant 0 : i32
    %dma_start3A_56 = tpu.memref_slice %arg17[%dma_start3A_54, %dma_start3A_55] : memref<10240x128xf32, #tpu.memory_space<vmem_shared>> -> memref<10240x128xf32, #tpu.memory_space<vmem_shared>>
    tpu.enqueue_indirect_dma source(%arg8 : memref<80x128xf32, #tpu.memory_space<vmem>>) target(%dma_start3A_56 : memref<10240x128xf32, #tpu.memory_space<vmem_shared>>) offsets(%arg10 : memref<80xi32, #tpu.memory_space<vmem>>) semaphore(%arg24 : memref<!tpu.dma_semaphore, #tpu.memory_space<semaphore_mem>>) {add = true}
    %get3A = arith.constant 0 : index
    %get3A_57 = tpu.vector_load %arg10[%get3A] {strides = array<i32>} : memref<80xi32, #tpu.memory_space<vmem>>, vector<16xi32>,
    %get3A_58 = arith.constant 0 : index
    %get3A_59 = tpu.vector_load %arg12[%get3A_58] {strides = array<i32>} : memref<80xf32, #tpu.memory_space<vmem>>, vector<16xf32>,
    tpu.vector_store_idx %arg14[%get3A_57], %get3A_59 {add = true} : memref<10240xf32, #tpu.memory_space<vmem>>[vector<16xi32>], vector<16xf32>,
    %get3A_60 = arith.constant 16 : index
    %get3A_61 = tpu.vector_load %arg10[%get3A_60] {strides = array<i32>} : memref<80xi32, #tpu.memory_space<vmem>>, vector<16xi32>,
    %get3A_62 = arith.constant 16 : index
    %get3A_63 = tpu.vector_load %arg12[%get3A_62] {strides = array<i32>} : memref<80xf32, #tpu.memory_space<vmem>>, vector<16xf32>,
    tpu.vector_store_idx %arg14[%get3A_61], %get3A_63 {add = true} : memref<10240xf32, #tpu.memory_space<vmem>>[vector<16xi32>], vector<16xf32>,
    %get3A_64 = arith.constant 32 : index
    %get3A_65 = tpu.vector_load %arg10[%get3A_64] {strides = array<i32>} : memref<80xi32, #tpu.memory_space<vmem>>, vector<16xi32>,
    %get3A_66 = arith.constant 32 : index
    %get3A_67 = tpu.vector_load %arg12[%get3A_66] {strides = array<i32>} : memref<80xf32, #tpu.memory_space<vmem>>, vector<16xf32>,
    tpu.vector_store_idx %arg14[%get3A_65], %get3A_67 {add = true} : memref<10240xf32, #tpu.memory_space<vmem>>[vector<16xi32>], vector<16xf32>,
    %get3A_68 = arith.constant 48 : index
    %get3A_69 = tpu.vector_load %arg10[%get3A_68] {strides = array<i32>} : memref<80xi32, #tpu.memory_space<vmem>>, vector<16xi32>,
    %get3A_70 = arith.constant 48 : index
    %get3A_71 = tpu.vector_load %arg12[%get3A_70] {strides = array<i32>} : memref<80xf32, #tpu.memory_space<vmem>>, vector<16xf32>,
    tpu.vector_store_idx %arg14[%get3A_69], %get3A_71 {add = true} : memref<10240xf32, #tpu.memory_space<vmem>>[vector<16xi32>], vector<16xf32>,
    %get3A_72 = arith.constant 64 : index
    %get3A_73 = tpu.vector_load %arg10[%get3A_72] {strides = array<i32>} : memref<80xi32, #tpu.memory_space<vmem>>, vector<16xi32>,
    %get3A_74 = arith.constant 64 : index
    %get3A_75 = tpu.vector_load %arg12[%get3A_74] {strides = array<i32>} : memref<80xf32, #tpu.memory_space<vmem>>, vector<16xf32>,
    tpu.vector_store_idx %arg14[%get3A_73], %get3A_75 {add = true} : memref<10240xf32, #tpu.memory_space<vmem>>[vector<16xi32>], vector<16xf32>,
    %dma_wait3A_76 = arith.constant 0 : i32
    %dma_wait3A_77 = arith.constant 0 : i32
    %dma_wait3A_78 = tpu.memref_slice %arg17[%dma_wait3A_76, %dma_wait3A_77] : memref<10240x128xf32, #tpu.memory_space<vmem_shared>> -> memref<10240x128xf32, #tpu.memory_space<vmem_shared>>
    tpu.wait_indirect_dma semaphore(%arg24 : memref<!tpu.dma_semaphore, #tpu.memory_space<semaphore_mem>>) src(%arg8 : memref<80x128xf32, #tpu.memory_space<vmem>>) dst(%dma_wait3A_78 : memref<10240x128xf32, #tpu.memory_space<vmem_shared>>)
    %scan3A_79 = arith.constant 0 : i32
    %scan3A_80 = arith.constant 0 : i32
    %scan3A_81 = arith.constant 64 : i32
    %scan3A_82 = arith.addi %scan3A_80, %scan3A_81 : i32
    %scan3A_83 = arith.constant 1 : i32
    %scan3A_84 = scf.for %scan3A_94 = %scan3A_80 to %scan3A_82 step %scan3A_83 iter_args(%scan3A_95 = %scan3A_79) -> (i32)  : i32 {
      %mul3A_96 = arith.constant 64 : i32
      %mul3A_97 = arith.muli %scan3A_94, %mul3A_96 : i32
      "tpu.region"() ({
        %run_scoped3A = tpu.sem_alloc : memref<!tpu.dma_semaphore, #tpu.memory_space<semaphore_mem>>
        %dma_start3A_133 = tpu.memref_slice %arg5[%mul3A_97] : memref<4096xi32, #tpu.memory_space<hbm>> -> memref<64xi32, #tpu.memory_space<hbm>>
        %dma_start3A_134 = tpu.memref_slice %arg5[%mul3A_97] : memref<4096xi32, #tpu.memory_space<hbm>> -> memref<64xi32, #tpu.memory_space<hbm>>
        tpu.enqueue_dma source(%dma_start3A_134 : memref<64xi32, #tpu.memory_space<hbm>>) target(%arg15 : memref<64xi32, #tpu.memory_space<vmem>>) target_semaphore(%run_scoped3A : memref<!tpu.dma_semaphore, #tpu.memory_space<semaphore_mem>>)
        %dma_wait3A_135 = tpu.memref_slice %arg5[%mul3A_97] : memref<4096xi32, #tpu.memory_space<hbm>> -> memref<64xi32, #tpu.memory_space<hbm>>
        %dma_wait3A_136 = tpu.memref_slice %arg5[%mul3A_97] : memref<4096xi32, #tpu.memory_space<hbm>> -> memref<64xi32, #tpu.memory_space<hbm>>
        tpu.wait_dma2 semaphore(%run_scoped3A : memref<!tpu.dma_semaphore, #tpu.memory_space<semaphore_mem>>) src(%dma_wait3A_136 : memref<64xi32, #tpu.memory_space<hbm>>) dst(%arg15 : memref<64xi32, #tpu.memory_space<vmem>>)
        tpu.yield
      }) : () -> ()
      %get3A_98 = arith.constant 0 : index
      %get3A_99 = tpu.vector_load %arg15[%get3A_98] {strides = array<i32>} : memref<64xi32, #tpu.memory_space<vmem>>, vector<16xi32>,
      %gather3A = tpu.vector_load_idx %arg14[%get3A_99] : memref<10240xf32, #tpu.memory_space<vmem>>[vector<16xi32>], vector<16xf32>,
      %mul3A_100 = arith.constant 64 : i32
      %mul3A_101 = arith.muli %scan3A_94, %mul3A_100 : i32
      %add3A_102 = arith.constant 0 : i32
      %add3A_103 = arith.addi %mul3A_101, %add3A_102 : i32
      %swap3A = arith.index_cast %add3A_103 : i32 to index
      %swap3A_104 = tpu.vector_load %arg16[%swap3A] {strides = array<i32>} : memref<4096xf32, #tpu.memory_space<vmem>>, vector<16xf32>,
      tpu.vector_store %arg16[%swap3A], %gather3A {strides = array<i32>} : memref<4096xf32, #tpu.memory_space<vmem>>, vector<16xf32>,
      %get3A_105 = arith.constant 16 : index
      %get3A_106 = tpu.vector_load %arg15[%get3A_105] {strides = array<i32>} : memref<64xi32, #tpu.memory_space<vmem>>, vector<16xi32>,
      %gather3A_107 = tpu.vector_load_idx %arg14[%get3A_106] : memref<10240xf32, #tpu.memory_space<vmem>>[vector<16xi32>], vector<16xf32>,
      %mul3A_108 = arith.constant 64 : i32
      %mul3A_109 = arith.muli %scan3A_94, %mul3A_108 : i32
      %add3A_110 = arith.constant 16 : i32
      %add3A_111 = arith.addi %mul3A_109, %add3A_110 : i32
      %swap3A_112 = arith.index_cast %add3A_111 : i32 to index
      %swap3A_113 = tpu.vector_load %arg16[%swap3A_112] {strides = array<i32>} : memref<4096xf32, #tpu.memory_space<vmem>>, vector<16xf32>,
      tpu.vector_store %arg16[%swap3A_112], %gather3A_107 {strides = array<i32>} : memref<4096xf32, #tpu.memory_space<vmem>>, vector<16xf32>,
      %get3A_114 = arith.constant 32 : index
      %get3A_115 = tpu.vector_load %arg15[%get3A_114] {strides = array<i32>} : memref<64xi32, #tpu.memory_space<vmem>>, vector<16xi32>,
      %gather3A_116 = tpu.vector_load_idx %arg14[%get3A_115] : memref<10240xf32, #tpu.memory_space<vmem>>[vector<16xi32>], vector<16xf32>,
      %mul3A_117 = arith.constant 64 : i32
      %mul3A_118 = arith.muli %scan3A_94, %mul3A_117 : i32
      %add3A_119 = arith.constant 32 : i32
      %add3A_120 = arith.addi %mul3A_118, %add3A_119 : i32
      %swap3A_121 = arith.index_cast %add3A_120 : i32 to index
      %swap3A_122 = tpu.vector_load %arg16[%swap3A_121] {strides = array<i32>} : memref<4096xf32, #tpu.memory_space<vmem>>, vector<16xf32>,
      tpu.vector_store %arg16[%swap3A_121], %gather3A_116 {strides = array<i32>} : memref<4096xf32, #tpu.memory_space<vmem>>, vector<16xf32>,
      %get3A_123 = arith.constant 48 : index
      %get3A_124 = tpu.vector_load %arg15[%get3A_123] {strides = array<i32>} : memref<64xi32, #tpu.memory_space<vmem>>, vector<16xi32>,
      %gather3A_125 = tpu.vector_load_idx %arg14[%get3A_124] : memref<10240xf32, #tpu.memory_space<vmem>>[vector<16xi32>], vector<16xf32>,
      %mul3A_126 = arith.constant 64 : i32
      %mul3A_127 = arith.muli %scan3A_94, %mul3A_126 : i32
      %add3A_128 = arith.constant 48 : i32
      %add3A_129 = arith.addi %mul3A_127, %add3A_128 : i32
      %swap3A_130 = arith.index_cast %add3A_129 : i32 to index
      %swap3A_131 = tpu.vector_load %arg16[%swap3A_130] {strides = array<i32>} : memref<4096xf32, #tpu.memory_space<vmem>>, vector<16xf32>,
      tpu.vector_store %arg16[%swap3A_130], %gather3A_125 {strides = array<i32>} : memref<4096xf32, #tpu.memory_space<vmem>>, vector<16xf32>,
      %scan3A_132 = arith.constant 0 : i32
      scf.yield %scan3A_132 : i32
    }
    %scan3A_85 = arith.constant 64 : i32
    "tpu.region"() ({
      %run_scoped3A = tpu.sem_alloc : memref<!tpu.dma_semaphore, #tpu.memory_space<semaphore_mem>>
      %dma_start3A_94 = arith.constant 0 : i32
      %dma_start3A_95 = tpu.memref_slice %arg7[%arg0, %arg1, %dma_start3A_94] : memref<2x16x4096xf32, #tpu.memory_space<hbm>> -> memref<1x1x4096xf32, #tpu.memory_space<hbm>>
      %dma_start3A_96 = tpu.memref_squeeze %dma_start3A_95 : memref<1x1x4096xf32, #tpu.memory_space<hbm>> -> memref<4096xf32, #tpu.memory_space<hbm>>
      %dma_start3A_97 = arith.constant 0 : i32
      %dma_start3A_98 = tpu.memref_slice %arg7[%arg0, %arg1, %dma_start3A_97] : memref<2x16x4096xf32, #tpu.memory_space<hbm>> -> memref<1x1x4096xf32, #tpu.memory_space<hbm>>
      %dma_start3A_99 = tpu.memref_squeeze %dma_start3A_98 : memref<1x1x4096xf32, #tpu.memory_space<hbm>> -> memref<4096xf32, #tpu.memory_space<hbm>>
      tpu.enqueue_dma source(%arg16 : memref<4096xf32, #tpu.memory_space<vmem>>) target(%dma_start3A_99 : memref<4096xf32, #tpu.memory_space<hbm>>) target_semaphore(%run_scoped3A : memref<!tpu.dma_semaphore, #tpu.memory_space<semaphore_mem>>)
      %dma_wait3A_100 = arith.constant 0 : i32
      %dma_wait3A_101 = tpu.memref_slice %arg7[%arg0, %arg1, %dma_wait3A_100] : memref<2x16x4096xf32, #tpu.memory_space<hbm>> -> memref<1x1x4096xf32, #tpu.memory_space<hbm>>
      %dma_wait3A_102 = tpu.memref_squeeze %dma_wait3A_101 : memref<1x1x4096xf32, #tpu.memory_space<hbm>> -> memref<4096xf32, #tpu.memory_space<hbm>>
      %dma_wait3A_103 = arith.constant 0 : i32
      %dma_wait3A_104 = tpu.memref_slice %arg7[%arg0, %arg1, %dma_wait3A_103] : memref<2x16x4096xf32, #tpu.memory_space<hbm>> -> memref<1x1x4096xf32, #tpu.memory_space<hbm>>
      %dma_wait3A_105 = tpu.memref_squeeze %dma_wait3A_104 : memref<1x1x4096xf32, #tpu.memory_space<hbm>> -> memref<4096xf32, #tpu.memory_space<hbm>>
      tpu.wait_dma2 semaphore(%run_scoped3A : memref<!tpu.dma_semaphore, #tpu.memory_space<semaphore_mem>>) src(%arg16 : memref<4096xf32, #tpu.memory_space<vmem>>) dst(%dma_wait3A_105 : memref<4096xf32, #tpu.memory_space<hbm>>)
      tpu.yield
    }) : () -> ()
    %barrier3A_86 = arith.constant 0 : index
    tpu.barrier barrier_id(%barrier3A_86)
    %scan3A_87 = arith.constant 0 : i32
    %scan3A_88 = arith.constant 0 : i32
    %scan3A_89 = arith.constant 4 : i32
    %scan3A_90 = arith.addi %scan3A_88, %scan3A_89 : i32
    %scan3A_91 = arith.constant 1 : i32
    %scan3A_92 = scf.for %scan3A_94 = %scan3A_88 to %scan3A_90 step %scan3A_91 iter_args(%scan3A_95 = %scan3A_87) -> (i32)  : i32 {
      %mul3A_96 = arith.constant 4 : i32
      %mul3A_97 = arith.muli %arg1, %mul3A_96 : i32
      %add3A_98 = arith.addi %mul3A_97, %scan3A_94 : i32
      %mul3A_99 = arith.constant 64 : i32
      %mul3A_100 = arith.muli %add3A_98, %mul3A_99 : i32
      "tpu.region"() ({
        %run_scoped3A = tpu.sem_alloc : memref<!tpu.dma_semaphore, #tpu.memory_space<semaphore_mem>>
        %dma_start3A_104 = tpu.memref_slice %arg5[%mul3A_100] : memref<4096xi32, #tpu.memory_space<hbm>> -> memref<64xi32, #tpu.memory_space<hbm>>
        %dma_start3A_105 = tpu.memref_slice %arg5[%mul3A_100] : memref<4096xi32, #tpu.memory_space<hbm>> -> memref<64xi32, #tpu.memory_space<hbm>>
        tpu.enqueue_dma source(%dma_start3A_105 : memref<64xi32, #tpu.memory_space<hbm>>) target(%arg15 : memref<64xi32, #tpu.memory_space<vmem>>) target_semaphore(%run_scoped3A : memref<!tpu.dma_semaphore, #tpu.memory_space<semaphore_mem>>)
        %dma_wait3A_106 = tpu.memref_slice %arg5[%mul3A_100] : memref<4096xi32, #tpu.memory_space<hbm>> -> memref<64xi32, #tpu.memory_space<hbm>>
        %dma_wait3A_107 = tpu.memref_slice %arg5[%mul3A_100] : memref<4096xi32, #tpu.memory_space<hbm>> -> memref<64xi32, #tpu.memory_space<hbm>>
        tpu.wait_dma2 semaphore(%run_scoped3A : memref<!tpu.dma_semaphore, #tpu.memory_space<semaphore_mem>>) src(%dma_wait3A_107 : memref<64xi32, #tpu.memory_space<hbm>>) dst(%arg15 : memref<64xi32, #tpu.memory_space<vmem>>)
        tpu.yield
      }) : () -> ()
      "tpu.region"() ({
        %run_scoped3A = tpu.sem_alloc : memref<!tpu.dma_semaphore, #tpu.memory_space<semaphore_mem>>
        %dma_start3A_104 = arith.constant 0 : i32
        %dma_start3A_105 = arith.constant 0 : i32
        %dma_start3A_106 = tpu.memref_slice %arg8[%dma_start3A_104, %dma_start3A_105] : memref<80x128xf32, #tpu.memory_space<vmem>> -> memref<64x128xf32, #tpu.memory_space<vmem>>
        %dma_start3A_107 = arith.constant 0 : i32
        %dma_start3A_108 = arith.constant 0 : i32
        %dma_start3A_109 = tpu.memref_slice %arg17[%dma_start3A_107, %dma_start3A_108] : memref<10240x128xf32, #tpu.memory_space<vmem_shared>> -> memref<10240x128xf32, #tpu.memory_space<vmem_shared>>
        tpu.enqueue_indirect_dma source(%dma_start3A_109 : memref<10240x128xf32, #tpu.memory_space<vmem_shared>>) target(%dma_start3A_106 : memref<64x128xf32, #tpu.memory_space<vmem>>) offsets(%arg15 : memref<64xi32, #tpu.memory_space<vmem>>) semaphore(%run_scoped3A : memref<!tpu.dma_semaphore, #tpu.memory_space<semaphore_mem>>)
        %dma_wait3A_110 = arith.constant 0 : i32
        %dma_wait3A_111 = arith.constant 0 : i32
        %dma_wait3A_112 = tpu.memref_slice %arg8[%dma_wait3A_110, %dma_wait3A_111] : memref<80x128xf32, #tpu.memory_space<vmem>> -> memref<64x128xf32, #tpu.memory_space<vmem>>
        %dma_wait3A_113 = arith.constant 0 : i32
        %dma_wait3A_114 = arith.constant 0 : i32
        %dma_wait3A_115 = tpu.memref_slice %arg17[%dma_wait3A_113, %dma_wait3A_114] : memref<10240x128xf32, #tpu.memory_space<vmem_shared>> -> memref<10240x128xf32, #tpu.memory_space<vmem_shared>>
        tpu.wait_indirect_dma semaphore(%run_scoped3A : memref<!tpu.dma_semaphore, #tpu.memory_space<semaphore_mem>>) src(%dma_wait3A_115 : memref<10240x128xf32, #tpu.memory_space<vmem_shared>>) dst(%dma_wait3A_112 : memref<64x128xf32, #tpu.memory_space<vmem>>)
        tpu.yield
      }) : () -> ()
      %mul3A_101 = arith.constant 64 : i32
      %mul3A_102 = arith.muli %add3A_98, %mul3A_101 : i32
      "tpu.region"() ({
        %run_scoped3A = tpu.sem_alloc : memref<!tpu.dma_semaphore, #tpu.memory_space<semaphore_mem>>
        %dma_start3A_104 = arith.constant 0 : i32
        %dma_start3A_105 = arith.constant 0 : i32
        %dma_start3A_106 = tpu.memref_slice %arg8[%dma_start3A_104, %dma_start3A_105] : memref<80x128xf32, #tpu.memory_space<vmem>> -> memref<64x128xf32, #tpu.memory_space<vmem>>
        %dma_start3A_107 = arith.constant 0 : i32
        %dma_start3A_108 = tpu.memref_slice %arg6[%arg0, %mul3A_102, %dma_start3A_107] : memref<2x4096x128xf32, #tpu.memory_space<hbm>> -> memref<1x64x128xf32, #tpu.memory_space<hbm>>
        %dma_start3A_109 = tpu.memref_squeeze %dma_start3A_108 : memref<1x64x128xf32, #tpu.memory_space<hbm>> -> memref<64x128xf32, #tpu.memory_space<hbm>>
        %dma_start3A_110 = arith.constant 0 : i32
        %dma_start3A_111 = tpu.memref_slice %arg6[%arg0, %mul3A_102, %dma_start3A_110] : memref<2x4096x128xf32, #tpu.memory_space<hbm>> -> memref<1x64x128xf32, #tpu.memory_space<hbm>>
        %dma_start3A_112 = tpu.memref_squeeze %dma_start3A_111 : memref<1x64x128xf32, #tpu.memory_space<hbm>> -> memref<64x128xf32, #tpu.memory_space<hbm>>
        %dma_start3A_113 = arith.constant 0 : i32
        %dma_start3A_114 = arith.constant 0 : i32
        %dma_start3A_115 = tpu.memref_slice %arg8[%dma_start3A_113, %dma_start3A_114] : memref<80x128xf32, #tpu.memory_space<vmem>> -> memref<64x128xf32, #tpu.memory_space<vmem>>
        tpu.enqueue_dma source(%dma_start3A_115 : memref<64x128xf32, #tpu.memory_space<vmem>>) target(%dma_start3A_112 : memref<64x128xf32, #tpu.memory_space<hbm>>) target_semaphore(%run_scoped3A : memref<!tpu.dma_semaphore, #tpu.memory_space<semaphore_mem>>)
        %dma_wait3A_116 = arith.constant 0 : i32
        %dma_wait3A_117 = arith.constant 0 : i32
        %dma_wait3A_118 = tpu.memref_slice %arg8[%dma_wait3A_116, %dma_wait3A_117] : memref<80x128xf32, #tpu.memory_space<vmem>> -> memref<64x128xf32, #tpu.memory_space<vmem>>
        %dma_wait3A_119 = arith.constant 0 : i32
        %dma_wait3A_120 = tpu.memref_slice %arg6[%arg0, %mul3A_102, %dma_wait3A_119] : memref<2x4096x128xf32, #tpu.memory_space<hbm>> -> memref<1x64x128xf32, #tpu.memory_space<hbm>>
        %dma_wait3A_121 = tpu.memref_squeeze %dma_wait3A_120 : memref<1x64x128xf32, #tpu.memory_space<hbm>> -> memref<64x128xf32, #tpu.memory_space<hbm>>
        %dma_wait3A_122 = arith.constant 0 : i32
        %dma_wait3A_123 = tpu.memref_slice %arg6[%arg0, %mul3A_102, %dma_wait3A_122] : memref<2x4096x128xf32, #tpu.memory_space<hbm>> -> memref<1x64x128xf32, #tpu.memory_space<hbm>>
        %dma_wait3A_124 = tpu.memref_squeeze %dma_wait3A_123 : memref<1x64x128xf32, #tpu.memory_space<hbm>> -> memref<64x128xf32, #tpu.memory_space<hbm>>
        %dma_wait3A_125 = arith.constant 0 : i32
        %dma_wait3A_126 = arith.constant 0 : i32
        %dma_wait3A_127 = tpu.memref_slice %arg8[%dma_wait3A_125, %dma_wait3A_126] : memref<80x128xf32, #tpu.memory_space<vmem>> -> memref<64x128xf32, #tpu.memory_space<vmem>>
        tpu.wait_dma2 semaphore(%run_scoped3A : memref<!tpu.dma_semaphore, #tpu.memory_space<semaphore_mem>>) src(%dma_wait3A_127 : memref<64x128xf32, #tpu.memory_space<vmem>>) dst(%dma_wait3A_124 : memref<64x128xf32, #tpu.memory_space<hbm>>)
        tpu.yield
      }) : () -> ()
      %scan3A_103 = arith.constant 0 : i32
      scf.yield %scan3A_103 : i32
    }
    %scan3A_93 = arith.constant 4 : i32
    return
  }
}

module attributes {stable_mosaic.version = 14 : i64} {
  func.func @_mlp_body(%arg0: i32, %arg1: memref<8192x128xf32, #tpu.memory_space<vmem>>, %arg2: memref<8192x128xf32, #tpu.memory_space<vmem>>, %arg3: memref<256x128xf32, #tpu.memory_space<vmem>>, %arg4: memref<1x128xf32, #tpu.memory_space<vmem>>, %arg5: memref<128x128xf32, #tpu.memory_space<vmem>>, %arg6: memref<1x128xf32, #tpu.memory_space<vmem>>, %arg7: memref<128x1xf32, #tpu.memory_space<vmem>>, %arg8: memref<1x1xf32, #tpu.memory_space<vmem>>, %arg9: memref<2x8192xi32, #tpu.memory_space<vmem>>, %arg10: memref<8192x128xf32, #tpu.memory_space<vmem>>, %arg11: memref<8192xf32, #tpu.memory_space<vmem>>, %arg12: memref<8192xi32, #tpu.memory_space<vmem>>) attributes {dimension_semantics = [#tpu.dimension_semantics<arbitrary>], iteration_bounds = array<i64: 40>, scalar_prefetch = 0 : i64, scratch_operands = 0 : i64, tpu.core_type = #tpu.core_type<tc>, window_params = [{transform_indices = @transform_0, window_bounds = array<i64: 8192, 128>}, {transform_indices = @transform_1, window_bounds = array<i64: 8192, 128>}, {pipeline_mode = #tpu.pipeline_mode<synchronous>, transform_indices = @transform_2, window_bounds = array<i64: 256, 128>}, {pipeline_mode = #tpu.pipeline_mode<synchronous>, transform_indices = @transform_3, window_bounds = array<i64: 1, 128>}, {pipeline_mode = #tpu.pipeline_mode<synchronous>, transform_indices = @transform_4, window_bounds = array<i64: 128, 128>}, {pipeline_mode = #tpu.pipeline_mode<synchronous>, transform_indices = @transform_5, window_bounds = array<i64: 1, 128>}, {pipeline_mode = #tpu.pipeline_mode<synchronous>, transform_indices = @transform_6, window_bounds = array<i64: 128, 1>}, {pipeline_mode = #tpu.pipeline_mode<synchronous>, transform_indices = @transform_7, window_bounds = array<i64: 1, 1>}, {transform_indices = @transform_8, window_bounds = array<i64: 2, 8192>}, {transform_indices = @transform_9, window_bounds = array<i64: 8192, 128>}, {transform_indices = @transform_10, window_bounds = array<i64: 8192>}, {transform_indices = @transform_11, window_bounds = array<i64: 8192>}]} {
    %get3A = arith.constant 0 : index
    %get3A_0 = arith.constant 0 : index
    %get3A_1 = vector.load %arg1[%get3A, %get3A_0] : memref<8192x128xf32, #tpu.memory_space<vmem>>, vector<8192x128xf32>
    %get3A_2 = arith.constant 1 : index
    %get3A_3 = arith.constant 0 : index
    %get3A_4 = vector.load %arg9[%get3A_2, %get3A_3] : memref<2x8192xi32, #tpu.memory_space<vmem>>, vector<1x8192xi32>
    %get3A_5 = vector.shape_cast %get3A_4 : vector<1x8192xi32> to vector<8192xi32>
    %swap3A = arith.constant 0 : index
    %swap3A_6 = vector.load %arg12[%swap3A] : memref<8192xi32, #tpu.memory_space<vmem>>, vector<8192xi32>
    tpu.vector_store %arg12[%swap3A], %get3A_5 {strides = array<i32>} : memref<8192xi32, #tpu.memory_space<vmem>>, vector<8192xi32>,
    %get3A_7 = arith.constant 0 : index
    %get3A_8 = arith.constant 0 : index
    %get3A_9 = vector.load %arg3[%get3A_7, %get3A_8] : memref<256x128xf32, #tpu.memory_space<vmem>>, vector<128x128xf32>
    %dot_general3A = arith.constant dense<0.000000e+00> : vector<8192x128xf32>
    %dot_general3A_10 = tpu.matmul %get3A_1, %get3A_9, %dot_general3A {dimension_numbers = #tpu.dot_dimension_numbers<[1], [0], [0], [1], [0, 0, 1, 1], [], []>, transpose_lhs_hint = false} : vector<8192x128xf32>, vector<128x128xf32>, vector<8192x128xf32> -> vector<8192x128xf32>
    %get3A_11 = arith.constant 0 : index
    %get3A_12 = arith.constant 0 : index
    %get3A_13 = vector.load %arg2[%get3A_11, %get3A_12] : memref<8192x128xf32, #tpu.memory_space<vmem>>, vector<8192x128xf32>
    %get3A_14 = arith.constant 128 : index
    %get3A_15 = arith.constant 0 : index
    %get3A_16 = vector.load %arg3[%get3A_14, %get3A_15] : memref<256x128xf32, #tpu.memory_space<vmem>>, vector<128x128xf32>
    %dot_general3A_17 = arith.constant dense<0.000000e+00> : vector<8192x128xf32>
    %dot_general3A_18 = tpu.matmul %get3A_13, %get3A_16, %dot_general3A_17 {dimension_numbers = #tpu.dot_dimension_numbers<[1], [0], [0], [1], [0, 0, 1, 1], [], []>, transpose_lhs_hint = false} : vector<8192x128xf32>, vector<128x128xf32>, vector<8192x128xf32> -> vector<8192x128xf32>
    %add3A = arith.addf %dot_general3A_10, %dot_general3A_18 : vector<8192x128xf32>
    %get3A_19 = arith.constant 0 : index
    %get3A_20 = arith.constant 0 : index
    %get3A_21 = vector.load %arg4[%get3A_19, %get3A_20] : memref<1x128xf32, #tpu.memory_space<vmem>>, vector<1x128xf32>
    %add3A_22 = vector.broadcast %get3A_21 : vector<1x128xf32> to vector<8192x128xf32>
    %add3A_23 = arith.addf %add3A, %add3A_22 : vector<8192x128xf32>
    %max3A = arith.constant 0.000000e+00 : f32
    %max3A_24 = vector.broadcast %max3A : f32 to vector<8192x128xf32>
    %max3A_25 = arith.maximumf %add3A_23, %max3A_24 : vector<8192x128xf32>
    %get3A_26 = arith.constant 0 : index
    %get3A_27 = arith.constant 0 : index
    %get3A_28 = vector.load %arg5[%get3A_26, %get3A_27] : memref<128x128xf32, #tpu.memory_space<vmem>>, vector<128x128xf32>
    %dot_general3A_29 = arith.constant dense<0.000000e+00> : vector<8192x128xf32>
    %dot_general3A_30 = tpu.matmul %max3A_25, %get3A_28, %dot_general3A_29 {dimension_numbers = #tpu.dot_dimension_numbers<[1], [0], [0], [1], [0, 0, 1, 1], [], []>, transpose_lhs_hint = false} : vector<8192x128xf32>, vector<128x128xf32>, vector<8192x128xf32> -> vector<8192x128xf32>
    %get3A_31 = arith.constant 0 : index
    %get3A_32 = arith.constant 0 : index
    %get3A_33 = vector.load %arg6[%get3A_31, %get3A_32] : memref<1x128xf32, #tpu.memory_space<vmem>>, vector<1x128xf32>
    %add3A_34 = vector.broadcast %get3A_33 : vector<1x128xf32> to vector<8192x128xf32>
    %add3A_35 = arith.addf %dot_general3A_30, %add3A_34 : vector<8192x128xf32>
    %max3A_36 = arith.constant 0.000000e+00 : f32
    %max3A_37 = vector.broadcast %max3A_36 : f32 to vector<8192x128xf32>
    %max3A_38 = arith.maximumf %add3A_35, %max3A_37 : vector<8192x128xf32>
    %get3A_39 = arith.constant 0 : index
    %get3A_40 = arith.constant 0 : index
    %get3A_41 = vector.load %arg7[%get3A_39, %get3A_40] : memref<128x1xf32, #tpu.memory_space<vmem>>, vector<128x1xf32>
    %dot_general3A_42 = arith.constant dense<0.000000e+00> : vector<8192x1xf32>
    %dot_general3A_43 = tpu.matmul %max3A_38, %get3A_41, %dot_general3A_42 {dimension_numbers = #tpu.dot_dimension_numbers<[1], [0], [0], [1], [0, 0, 1, 1], [], []>, transpose_lhs_hint = false} : vector<8192x128xf32>, vector<128x1xf32>, vector<8192x1xf32> -> vector<8192x1xf32>
    %get3A_44 = arith.constant 0 : index
    %get3A_45 = arith.constant 0 : index
    %get3A_46 = vector.load %arg8[%get3A_44, %get3A_45] : memref<1x1xf32, #tpu.memory_space<vmem>>, vector<1x1xf32>
    %add3A_47 = vector.broadcast %get3A_46 : vector<1x1xf32> to vector<8192x1xf32>
    %add3A_48 = arith.addf %dot_general3A_43, %add3A_47 : vector<8192x1xf32>
    %exp3A = math.exp %add3A_48 : vector<8192x1xf32>
    %mul3A = vector.broadcast %exp3A : vector<8192x1xf32> to vector<8192x128xf32>
    %mul3A_49 = arith.mulf %get3A_1, %mul3A : vector<8192x128xf32>
    %swap3A_50 = arith.constant 0 : index
    %swap3A_51 = arith.constant 0 : index
    %swap3A_52 = vector.load %arg10[%swap3A_50, %swap3A_51] : memref<8192x128xf32, #tpu.memory_space<vmem>>, vector<8192x128xf32>
    tpu.vector_store %arg10[%swap3A_50, %swap3A_51], %mul3A_49 {strides = array<i32>} : memref<8192x128xf32, #tpu.memory_space<vmem>>, vector<8192x128xf32>,
    %squeeze3A = vector.shape_cast %exp3A : vector<8192x1xf32> to vector<8192xf32>
    %swap3A_53 = arith.constant 0 : index
    %swap3A_54 = vector.load %arg11[%swap3A_53] : memref<8192xf32, #tpu.memory_space<vmem>>, vector<8192xf32>
    tpu.vector_store %arg11[%swap3A_53], %squeeze3A {strides = array<i32>} : memref<8192xf32, #tpu.memory_space<vmem>>, vector<8192xf32>,
    return
  }
  func.func @transform_0(%arg0: i32) -> (i32, i32) {
    %c0_i32 = arith.constant 0 : i32
    %c0_i32_0 = arith.constant 0 : i32
    return %arg0, %c0_i32 : i32, i32
  }
  func.func @transform_1(%arg0: i32) -> (i32, i32) {
    %c0_i32 = arith.constant 0 : i32
    %c0_i32_0 = arith.constant 0 : i32
    return %arg0, %c0_i32 : i32, i32
  }
  func.func @transform_2(%arg0: i32) -> (i32, i32) {
    %c0_i32 = arith.constant 0 : i32
    %c0_i32_0 = arith.constant 0 : i32
    %c0_i32_1 = arith.constant 0 : i32
    return %c0_i32, %c0_i32_0 : i32, i32
  }
  func.func @transform_3(%arg0: i32) -> (i32, i32) {
    %c0_i32 = arith.constant 0 : i32
    %c0_i32_0 = arith.constant 0 : i32
    %c0_i32_1 = arith.constant 0 : i32
    return %c0_i32, %c0_i32_0 : i32, i32
  }
  func.func @transform_4(%arg0: i32) -> (i32, i32) {
    %c0_i32 = arith.constant 0 : i32
    %c0_i32_0 = arith.constant 0 : i32
    %c0_i32_1 = arith.constant 0 : i32
    return %c0_i32, %c0_i32_0 : i32, i32
  }
  func.func @transform_5(%arg0: i32) -> (i32, i32) {
    %c0_i32 = arith.constant 0 : i32
    %c0_i32_0 = arith.constant 0 : i32
    %c0_i32_1 = arith.constant 0 : i32
    return %c0_i32, %c0_i32_0 : i32, i32
  }
  func.func @transform_6(%arg0: i32) -> (i32, i32) {
    %c0_i32 = arith.constant 0 : i32
    %c0_i32_0 = arith.constant 0 : i32
    %c0_i32_1 = arith.constant 0 : i32
    return %c0_i32, %c0_i32_0 : i32, i32
  }
  func.func @transform_7(%arg0: i32) -> (i32, i32) {
    %c0_i32 = arith.constant 0 : i32
    %c0_i32_0 = arith.constant 0 : i32
    %c0_i32_1 = arith.constant 0 : i32
    return %c0_i32, %c0_i32_0 : i32, i32
  }
  func.func @transform_8(%arg0: i32) -> (i32, i32) {
    %c0_i32 = arith.constant 0 : i32
    %c0_i32_0 = arith.constant 0 : i32
    return %c0_i32, %arg0 : i32, i32
  }
  func.func @transform_9(%arg0: i32) -> (i32, i32) {
    %c0_i32 = arith.constant 0 : i32
    %c0_i32_0 = arith.constant 0 : i32
    return %arg0, %c0_i32 : i32, i32
  }
  func.func @transform_10(%arg0: i32) -> i32 {
    %c0_i32 = arith.constant 0 : i32
    return %arg0 : i32
  }
  func.func @transform_11(%arg0: i32) -> i32 {
    %c0_i32 = arith.constant 0 : i32
    return %arg0 : i32
  }
}

module attributes {stable_mosaic.version = 14 : i64} {
  func.func @_combine_body(%arg0: i32, %arg1: memref<2x512x128xf32, #tpu.memory_space<vmem>>, %arg2: memref<2x16x512xf32, #tpu.memory_space<vmem>>, %arg3: memref<512x128xf32, #tpu.memory_space<vmem>>) attributes {dimension_semantics = [#tpu.dimension_semantics<arbitrary>], iteration_bounds = array<i64: 8>, scalar_prefetch = 0 : i64, scratch_operands = 0 : i64, tpu.core_type = #tpu.core_type<tc>, window_params = [{transform_indices = @transform_0, window_bounds = array<i64: 2, 512, 128>}, {transform_indices = @transform_1, window_bounds = array<i64: 2, 16, 512>}, {transform_indices = @transform_2, window_bounds = array<i64: 512, 128>}]} {
    %get3A = arith.constant 0 : index
    %get3A_0 = arith.constant 0 : index
    %get3A_1 = arith.constant 0 : index
    %get3A_2 = vector.load %arg1[%get3A, %get3A_0, %get3A_1] : memref<2x512x128xf32, #tpu.memory_space<vmem>>, vector<1x512x128xf32>
    %get3A_3 = vector.shape_cast %get3A_2 : vector<1x512x128xf32> to vector<512x128xf32>
    %get3A_4 = arith.constant 1 : index
    %get3A_5 = arith.constant 0 : index
    %get3A_6 = arith.constant 0 : index
    %get3A_7 = vector.load %arg1[%get3A_4, %get3A_5, %get3A_6] : memref<2x512x128xf32, #tpu.memory_space<vmem>>, vector<1x512x128xf32>
    %get3A_8 = vector.shape_cast %get3A_7 : vector<1x512x128xf32> to vector<512x128xf32>
    %add3A = arith.addf %get3A_3, %get3A_8 : vector<512x128xf32>
    %get3A_9 = arith.constant 0 : index
    %get3A_10 = arith.constant 0 : index
    %get3A_11 = arith.constant 0 : index
    %get3A_12 = vector.load %arg2[%get3A_9, %get3A_10, %get3A_11] : memref<2x16x512xf32, #tpu.memory_space<vmem>>, vector<2x16x512xf32>
    %reduce_sum3A = arith.constant dense<0.000000e+00> : vector<512xf32>
    %reduce_sum3A_13 = vector.multi_reduction <add>, %get3A_12, %reduce_sum3A [0, 1] : vector<2x16x512xf32> to vector<512xf32>
    %broadcast_in_dim3A = vector.shape_cast %reduce_sum3A_13 : vector<512xf32> to vector<512x1xf32>
    %add3A_14 = arith.constant 1.000000e-16 : f32
    %add3A_15 = vector.broadcast %add3A_14 : f32 to vector<512x1xf32>
    %add3A_16 = arith.addf %broadcast_in_dim3A, %add3A_15 : vector<512x1xf32>
    %div3A = vector.broadcast %add3A_16 : vector<512x1xf32> to vector<512x128xf32>
    %div3A_17 = arith.divf %add3A, %div3A : vector<512x128xf32>
    %swap3A = arith.constant 0 : index
    %swap3A_18 = arith.constant 0 : index
    %swap3A_19 = vector.load %arg3[%swap3A, %swap3A_18] : memref<512x128xf32, #tpu.memory_space<vmem>>, vector<512x128xf32>
    tpu.vector_store %arg3[%swap3A, %swap3A_18], %div3A_17 {strides = array<i32>} : memref<512x128xf32, #tpu.memory_space<vmem>>, vector<512x128xf32>,
    return
  }
  func.func @transform_0(%arg0: i32) -> (i32, i32, i32) {
    %c0_i32 = arith.constant 0 : i32
    %c0_i32_0 = arith.constant 0 : i32
    %c0_i32_1 = arith.constant 0 : i32
    return %c0_i32, %arg0, %c0_i32_0 : i32, i32, i32
  }
  func.func @transform_1(%arg0: i32) -> (i32, i32, i32) {
    %c0_i32 = arith.constant 0 : i32
    %c0_i32_0 = arith.constant 0 : i32
    %c0_i32_1 = arith.constant 0 : i32
    return %c0_i32, %c0_i32_0, %arg0 : i32, i32, i32
  }
  func.func @transform_2(%arg0: i32) -> (i32, i32) {
    %c0_i32 = arith.constant 0 : i32
    %c0_i32_0 = arith.constant 0 : i32
    return %arg0, %c0_i32 : i32, i32
  }
}

</mosaic_0001>

<sc_bundles>
// kernel: kernel.5.cloned.1.call-start
scs
__scs_entry_jumppad:
0x0: {  	(pc) =	sbr.rel $0x88, $3  }
0x1: {  	(tag) =	ssettag $0x0;
	lr =	simm.s32 $0x1  }
0x2: {  	[smem:$0x3F97] =	sst lr;
	_ =	strace $0xD0000000  }
0x3: {  	_ = 	snop  }
0x4: {  	_ = 	snop  }
0x5: {  	_ = 	snop  }
0x6: {  	_ = 	snop  }
0x7: {  	_ = 	snop  }
__scs_overlays_trampoline_lowered:
0x8: {  	[smem:$0x3FA6] =	sst s0  }
0x9: {  	[smem:$0x3FA7] =	sst s1  }
0xa: {  	[smem:$0x3FA8] =	sst s2  }
0xb: {  	[smem:$0x3FA9] =	sst s3  }
0xc: {  	[smem:$0x3FAA] =	sst s4  }
0xd: {  	[smem:$0x3FAB] =	sst s5  }
0xe: {  	[smem:$0x3FAC] =	sst s6  }
0xf: {  	[smem:$0x3FAD] =	sst s7  }
0x10: {  	[smem:$0x3FAE] =	sst s8  }
0x11: {  	[smem:$0x3FAF] =	sst s9;
	s0 =	simm.s32 @!p0 $0x0  }
0x12: {  	s1 =	sld [smem:$0x3F95];
	s0 =	simm.s32 @p0 $0x1  }
0x13: {  	[smem:$0x3FB0] =	sst s0;
	s0 =	simm.s32 @!p1 $0x0  }
0x14: {  	s2 =	sld [smem:$0x3F94];
	s0 =	simm.s32 @p1 $0x1  }
0x15: {  	[smem:$0x3FB1] =	sst s0;
	s0 =	simm.s32 @!p2 $0x0  }
0x16: {  	s3 =	sld [smem:$0x3FDB];
	s0 =	simm.s32 @p2 $0x1  }
0x17: {  	s4 =	simm.s32 $0x1BF5;
	[smem:$0x3FB3] =	sst s0  }
0x18: {  	s0 =	sld [smem:$0x3F96];
	_ =	swait.ge [sflag:s4], $0x0  }
0x19: {  	s7 =	sld [smem:$0x3F97]  }
0x1a: {  	s8 =	sadd.s32 $0xFFFFE003, lr  }
0x1b: {  	s9 =	sadd.s32 $0xFFFFFEF7, lr;
	s5 =	simm.s32 $0xFFFFFFFF;
	p2 =	slt.u32 s8, $0xFFFFF086  }
0x1c: {  	p1 =	slt.u32 s9, $0xF7A;
	s5 =	simm.s32 @!p2 $0x0  }
0x1d: {  	s5 =	simm.s32 @p1 $0x1;
	p0 =	seq.s32 s7, s2  }
0x1e: {  	s7 =	smul.u32 @!p0 $0xF7A, s2;
	p2 =	seq.s32 @!p0 s5, $0x0  }
0x1f: {  	s9 =	smul.u32 $0xF7A, s1;
	s8 =	simm.s32 @!p0 $0x1BF5;
	p2 =	por !p2, p0  }
0x20: {  	[sflag:s8] =	ssyncset.s32 @!p0 $0xFFFFF086;
	s6 =	sadd.s32 @!p0 s3, s7;
	s7 =	simm.s32 @!p0 $0x108  }
0x21: {  	s3 =	sadd.s32 s3, s9;
	s6 =	sadd.s32 @!p0 $0x88, s6;
	s7 =	simm.s32 @p2 $0x1082  }
0x22: {  	[simem:s7], [sflag:s8] =	dma.local @!p0 [hbm:s6], $0xF7A  }
0x23: {  	s9 =	sor.u32 $0xD0000000, s2;
	s6 =	simm.s32 $0x108;
	_ =	swait.ge @!p0 [sflag:s8], $0x0  }
0x24: {  	s3 =	sadd.s32 $0x88, s3;
	s6 =	simm.s32 @!p1 $0x1082;
	[sflag:s4] =	ssyncset.s32 $0xFFFFF086  }
0x25: {  	[simem:s6], [sflag:s4] =	dma.local [hbm:s3], $0xF7A  }
0x26: {  	[smem:$0x3F97] =	sst s1;
	(tag) =	ssettag s2;
	_ =	strace s9  }
0x27: {  	s1 =	sld [smem:$0x3FA7]  }
0x28: {  	s2 =	sld [smem:$0x3FA8]  }
0x29: {  	s4 =	sld [smem:$0x3FAA]  }
0x2a: {  	p0 =	seq.s32 s5, $0x0;
	s5 =	sld [smem:$0x3FAB]  }
0x2b: {  	s6 =	sld [smem:$0x3FAC]  }
0x2c: {  	s7 =	sld [smem:$0x3FAD]  }
0x2d: {  	s3 =	simm.s32 $0x108;
	s8 =	sld [smem:$0x3FAE]  }
0x2e: {  	s3 =	simm.s32 @!p0 $0x1082;
	s9 =	sld [smem:$0x3FAF]  }
0x2f: {  	lr =	sadd.s32 s0, s3;
	s0 =	sld [smem:$0x3FA6]  }
0x30: {  	s3 =	sld [smem:$0x3FA9]  }
0x31: {  	[smem:$0x3FB2] =	sst s10  }
0x32: {  	s10 =	sld [smem:$0x3FB0];
	_ =	sdelay $0x3  }
0x33: {  	p0 =	seq.s32 s10, $0x1;
	s10 =	sld [smem:$0x3FB2];
	_ =	sdelay $0x3  }
0x34: {  	[smem:$0x3FB2] =	sst s10  }
0x35: {  	s10 =	sld [smem:$0x3FB1];
	_ =	sdelay $0x3  }
0x36: {  	p1 =	seq.s32 s10, $0x1;
	s10 =	sld [smem:$0x3FB2];
	_ =	sdelay $0x3  }
0x37: {  	[smem:$0x3FB2] =	sst s10  }
0x38: {  	s10 =	sld [smem:$0x3FB3]  }
0x39: {  	_ = 	snop;
	(pc) =	sbr.ind lr, $3  }
0x3a: {  	_ = 	snop  }
0x3b: {  	_ = 	snop  }
0x3c: {  	p2 =	seq.s32 s10, $0x1;
	s10 =	sld [smem:$0x3FB2]  }
0x3d: {  	_ =	shalt  }
0x3e: {  	_ =	shalt  }
0x3f: {  	_ =	shalt  }
0x40: {  	_ =	shalt  }
0x41: {  	_ =	shalt  }
0x42: {  	_ =	shalt  }
0x43: {  	_ =	shalt  }
0x44: {  	_ =	shalt  }
0x45: {  	_ =	shalt  }
0x46: {  	_ =	shalt  }
0x47: {  	_ =	shalt  }
0x48: {  	_ =	shalt  }
0x49: {  	_ =	shalt  }
0x4a: {  	_ =	shalt  }
0x4b: {  	_ =	shalt  }
0x4c: {  	_ =	shalt  }
0x4d: {  	_ =	shalt  }
0x4e: {  	_ =	shalt  }
0x4f: {  	_ =	shalt  }
0x50: {  	_ =	shalt  }
0x51: {  	_ =	shalt  }
0x52: {  	_ =	shalt  }
0x53: {  	_ =	shalt  }
0x54: {  	_ =	shalt  }
0x55: {  	_ =	shalt  }
0x56: {  	_ =	shalt  }
0x57: {  	_ =	shalt  }
0x58: {  	_ =	shalt  }
0x59: {  	_ =	shalt  }
0x5a: {  	_ =	shalt  }
0x5b: {  	_ =	shalt  }
0x5c: {  	_ =	shalt  }
0x5d: {  	_ =	shalt  }
0x5e: {  	_ =	shalt  }
0x5f: {  	_ =	shalt  }
0x60: {  	_ =	shalt  }
0x61: {  	_ =	shalt  }
0x62: {  	_ =	shalt  }
0x63: {  	_ =	shalt  }
0x64: {  	_ =	shalt  }
0x65: {  	_ =	shalt  }
0x66: {  	_ =	shalt  }
0x67: {  	_ =	shalt  }
0x68: {  	_ =	shalt  }
0x69: {  	_ =	shalt  }
0x6a: {  	_ =	shalt  }
0x6b: {  	_ =	shalt  }
0x6c: {  	_ =	shalt  }
0x6d: {  	_ =	shalt  }
0x6e: {  	_ =	shalt  }
0x6f: {  	_ =	shalt  }
0x70: {  	_ =	shalt  }
0x71: {  	_ =	shalt  }
0x72: {  	_ =	shalt  }
0x73: {  	_ =	shalt  }
0x74: {  	_ =	shalt  }
0x75: {  	_ =	shalt  }
0x76: {  	_ =	shalt  }
0x77: {  	_ =	shalt  }
0x78: {  	_ =	shalt  }
0x79: {  	_ =	shalt  }
0x7a: {  	_ =	shalt  }
0x7b: {  	_ =	shalt  }
0x7c: {  	_ =	shalt  }
0x7d: {  	_ =	shalt  }
0x7e: {  	_ =	shalt  }
0x7f: {  	_ =	shalt  }
0x80: {  	_ =	shalt  }
0x81: {  	_ =	shalt  }
0x82: {  	_ =	shalt  }
0x83: {  	_ =	shalt  }
0x84: {  	_ =	shalt  }
0x85: {  	_ =	shalt  }
0x86: {  	_ =	shalt  }
0x87: {  	_ =	shalt  }
.Lfunc_end0:
.L_simem_size_0:
called_computation_lowered:
.L_overlay_start_0:
0x88: {  	s2 =	sld [smem:$0x3FD9]  }
0x89: {  	s3 =	sld [smem:$0x3FFE];
	_ =	sdelay $0x1  }
0x8a: {  	s1 =	srdreg.scid  }
0x8b: {  	s0 =	sand.u32 $0x1, s1  }
0x8c: {  	s17 =	sshll.u32 s0, $0xA;
	s2 =	sadd.s32 s3, s2  }
0x8d: {  	s2 =	sadd.s32 s2, s17  }
0x8e: {  	[smem:$0x3FBE] =	sst s2  }
0x8f: {  	_ = 	snop  }
0x90: {  	s2 =	sld [smem:$0x3FC9]  }
0x91: {  	s18 =	sld [smem:$0x3FD0];
	(tm) =	ssettm $0x1  }
0x92: {  	s4 =	sld [smem:$0x3FFB];
	_ =	sdelay $0x3  }
0x93: {  	_ =	strace s4  }
0x94: {  	s4 =	sld [smem:$0x3FFC];
	_ =	sdelay $0x3  }
0x95: {  	_ =	strace s4  }
0x96: {  	s4 =	sld [smem:$0x3FFD];
	_ =	sdelay $0x3  }
0x97: {  	_ =	strace s4  }
0x98: {  	_ =	strace $0x8FFFFFFF  }
0x99: {  	s19 =	sld [smem:$0x3FDB];
	_ =	sdelay $0x1  }
0x9a: {  	s5 =	simm.s32 $_scs_section_size  }
0x9b: {  	s6 =	simm.s32 $_size__tile_overlayer_lowered;
	s7 =	simm.s32 $_tile_overlayer_lowered  }
0x9c: {  	s22 =	simm.s32 $0x1BFF;
	s21 =	sshll.u32 s7, $0x1;
	s4 =	sadd.s32 s5, s19  }
0x9d: {  	s8 =	simm.s32 $0x0;
	s20 =	sshll.u32 s6, $0x1;
	s6 =	sadd.s32 s21, s4  }
0x9e: {  	[timem:s8], [sflag:s22] =	dma.local [hbm:s6], s20  }
0x9f: {  	_ =	swait.ge [sflag:s22], s20  }
0xa0: {  	s5 =	ssub.s32 $0x0, s20;
	[sflag:s22] =	ssyncset.done $0x0  }
0xa1: {  	[sflag:s22] =	ssyncadd.s32 s5;
	_ =	sdelay $0x1  }
0xa2: {  	s23 =	simm.s32 $0x1B8B  }
0xa3: {  	_ =	swait.ge [sflag:s23], $0x1  }
0xa4: {  	[sflag:s23] =	ssyncset.done $0x0  }
0xa5: {  	s25 =	simm.s32 $0x1B8E;
	s24 =	sld [smem:$0x3FFE];
	[sflag:s23] =	ssyncadd.s32 $0xFFFFFFFF  }
0xa6: {  	s26 =	simm.s32 $execute0_lowered;
	[smem:$0x3FD2] =	sst s25  }
0xa7: {  	s6 =	sshll.u32 s26, $0x1;
	_ =	strace $0x80000046;
	[dreg:$0x1] =	wrdreg $0xFFFFFFFF  }
0xa8: {  	s28 =	simm.s32 $_size_execute0_lowered;
	s4 =	sadd.s32 s4, s6;
	[dreg:$0x0] =	wrdreg $0x0  }
0xa9: {  	s6 =	sshll.u32 s28, $0x1;
	[dreg:$0x2] =	wrdreg s4  }
0xaa: {  	[dreg:$0x3] =	wrdreg s6  }
0xab: {  	[dreg:$0x4] =	wrdreg $0xC0  }
0xac: {  	_ =	task [dreg:s8], $0x5FFFF  }
0xad: {  	[dreg:$0x1] =	wrdreg $0xFFFFFFFF  }
0xae: {  	[dreg:$0x0] =	wrdreg $0x60  }
0xaf: {  	[dreg:$0x2] =	wrdreg s24  }
0xb0: {  	[dreg:$0x3] =	wrdreg s18  }
0xb1: {  	[dreg:$0x4] =	wrdreg s2  }
0xb2: {  	[dreg:$0x5] =	wrdreg $0x8A800  }
0xb3: {  	[dreg:$0x6] =	wrdreg $0x9  }
0xb4: {  	_ =	task.clear_ibuf [dreg:s8], $0x7FFFF;
	_ =	strace $0x90000046  }
0xb5: {  	s29 =	simm.s32 $0x9;
	_ =	strace $0x80000048  }
0xb6: {  	_ =	swait.ge [sflag:s29], $0x1  }
0xb7: {  	[sflag:s29] =	ssyncadd.s32 $0xFFFFFFFF  }
0xb8: {  	_ =	strace $0x90000048  }
0xb9: {  	_ =	sfence  }
0xba: {  	s30 =	sld [smem:$0x0];
	_ =	sdelay $0x2  }
0xbb: {  	s31 =	sshll.u32 s1, $0xD;
	s1 =	sshrl.u32 s1, $0x2  }
0xbc: {  	s3 =	sand.u32 $0x4000, s31;
	s1 =	sadd.s32 s1, s30  }
0xbd: {  	s0 =	sor.u32 s3, s0;
	s1 =	sshll.u32 s1, $0x11  }
0xbe: {  	s0 =	sor.u32 s1, s0  }
0xbf: {  	s0 =	sadd.s32 $0x8F2B, s0  }
0xc0: {  	[sflag:s0] =	ssyncadd.remote.s32 $0x1  }
0xc1: {  	_ =	sfence.sel $0xFFFF  }
0xc2: {  	[dreg:$0x0] =	wrdreg $0xFFFFFFFF;
	(pc) =	sbr.abs _section_cstart, $3  }
0xc3: {  	[dreg:$0x1] =	wrdreg $0xFFFFFFFF  }
0xc4: {  	_ =	task.clear_ibuf [dreg:s8], $0x2FFFF;
	_ =	strace $0x9FFFFFFF  }
0xc5: {  	(tm) =	ssettm $0x7FFFFFFF  }
tec
execute0_lowered:
.L_overlay_start_1:
0x0: {  	(tag) =	ssettag $0x1  }
0x1: {  	s0 =	rddreg [dreg:$0x0]  }
0x2: {  	s1 =	rddreg [dreg:$0x1]  }
0x3: {  	s2 =	rddreg [dreg:$0x2]  }
0x4: {  	s3 =	rddreg [dreg:$0x3];
	s5 =	simm.s32 $0x0;
	s15 =	stileid.u32  }
0x5: {  	s6 =	srdreg.scid;
	[smem:$0x7FF] =	sst s5  }
0x6: {  	s4 =	sadd.s32 $0x1C00, s0;
	s7 =	sshll.u32 s15, $0xC;
	s8 =	sshll.u32 s15, $0x7  }
0x7: {  	s9 =	sand.u32 $0x1, s6;
	s22 =	sshll.u32 s15, $0x1;
	s28 =	smul.u32 $0x50000, s15  }
0x8: {  	s6 =	sadd.s32 $0x4E3C00, s0;
	s25 =	sshll.u32 s15, $0x8;
	s17 =	smul.u32 $0x4E200, s15  }
0x9: {  	s26 =	sshll.u32 s15, $0x5;
	s15 =	smul.u32 $0x4E20, s15;
	_ =	strace $0x80000047  }
0xa: {  	s21 =	sor.u32 s7, s8;
	s10 =	sshll.u32 s9, $0x10;
	s19 =	smul.u32 $0x2710, s9  }
0xb: {  	s8 =	sor.u32 s9, s22;
	s13 =	ssub.s32 $0x2, s9;
	s9 =	smul.u32 $0x27100, s9  }
0xc: {  	s29 =	sor.u32 $0x40, s25;
	s16 =	sor.u32 $0x80, s25;
	s12 =	smul.u32 $0x2710, s8  }
0xd: {  	s11 =	sand.u32 $0x8380, s21;
	s8 =	smul.u32 $0x27100, s8;
	s23 =	sshrl.u32 s13, $0x1  }
0xe: {  	s30 =	sshrl.u32 s28, $0x2;
	s31 =	sshll.u32 s29, $0x4;
	s18 =	sshll.u32 s16, $0x4  }
0xf: {  	s11 =	sor.u32 s10, s11;
	s8 =	sadd.s32 s4, s8;
	s24 =	sshrl.u32 s12, $0x3  }
0x10: {  	s10 =	sadd.s32 s10, s0;
	[dreg:$0x6] =	wrdreg s8;
	s12 =	sadd.s32 s6, s24  }
0x11: {  	s10 =	sadd.s32 $0x4EDA00, s10;
	s8 =	sadd.s32 s1, s24;
	[dreg:$0x7] =	wrdreg s12  }
0x12: {  	s11 =	sshrl.u32 s11, $0x3;
	s7 =	sadd.s32 s7, s10;
	[dreg:$0x8] =	wrdreg s8  }
0x13: {  	s4 =	sadd.s32 s17, s4;
	s14 =	sadd.s32 s31, s10;
	[dreg:$0xc] =	wrdreg s7  }
0x14: {  	s0 =	sadd.s32 s11, s0;
	s4 =	sadd.s32 s9, s4;
	[dreg:$0xd] =	wrdreg s14  }
0x15: {  	s17 =	simm.s32 $0x2;
	s0 =	sadd.s32 $0x50DA00, s0;
	[dreg:$0x5] =	wrdreg s4  }
0x16: {  	s11 =	ssub.s32 s13, s23;
	s8 =	sadd.s32 s2, s26;
	[dreg:$0x9] =	wrdreg s0  }
0x17: {  	s13 =	sadd.s32 s30, s3;
	s11 =	smax.u32 s11, $0x1;
	[dreg:$0xa] =	wrdreg s8  }
0x18: {  	s9 =	simm.s32 $0x3;
	s12 =	sadd.s32 s18, s10;
	[dreg:$0xb] =	wrdreg s11  }
0x19: {  	s20 =	sadd.s32 $0x2800, s13;
	s7 =	sshrl.u32 s16, $0x3;
	[dreg:$0xe] =	wrdreg s12  }
0x1a: {  	s21 =	sadd.s32 $0x5000, s13;
	s26 =	sadd.s32 $0x7800, s13;
	[dreg:$0x10] =	wrdreg s20  }
0x1b: {  	s28 =	sadd.s32 $0xA000, s13;
	s30 =	sadd.s32 $0xF000, s13;
	[dreg:$0x11] =	wrdreg s21  }
0x1c: {  	s31 =	sadd.s32 $0x11800, s13;
	s4 =	simm.s32 $0x5000;
	[dreg:$0x18] =	wrdreg s26  }
0x1d: {  	s16 =	simm.s32 $0x5200;
	s18 =	simm.s32 $0x4;
	[dreg:$0x19] =	wrdreg s28  }
0x1e: {  	s0 =	sor.u32 $0xC0, s25;
	s8 =	sshrl.u32 s29, $0x3;
	[dreg:$0x1b] =	wrdreg s30  }
0x1f: {  	s7 =	sadd.s32 s2, s7;
	s29 =	sadd.s32 $0xC800, s13;
	[dreg:$0x1c] =	wrdreg s31  }
0x20: {  	s11 =	simm.s32 $0x2800;
	s12 =	simm.s32 $0x5080;
	s20 =	simm.s32 $0x7  }
0x21: {  	s21 =	simm.s32 $0x8;
	s26 =	simm.s32 $0x40;
	s14 =	sshll.u32 s0, $0x4  }
0x22: {  	s8 =	sadd.s32 s2, s8;
	[dreg:$0x13] =	wrdreg s7;
	s0 =	sshrl.u32 s0, $0x3  }
0x23: {  	[dreg:$0x1a] =	wrdreg s29;
	s7 =	simm.s32 $0x5100;
	s10 =	sadd.s32 s14, s10  }
0x24: {  	[dreg:$0x12] =	wrdreg s8;
	s0 =	sadd.s32 s2, s0;
	s8 =	simm.s32 $0x1  }
0x25: {  	s14 =	simm.s32 $0x5180;
	[dreg:$0xf] =	wrdreg s10;
	s10 =	sadd.s32 s19, s15  }
0x26: {  	[dreg:$0x14] =	wrdreg s0;
	s15 =	simm.s32 $0x50;
	s22 =	sadd.s32 $0x50, s10  }
0x27: {  	s19 =	simm.s32 $0x6;
	s24 =	sadd.s32 $0xA0, s10;
	s23 =	sshrl.u32 s22, $0x3  }
0x28: {  	s10 =	simm.s32 $0x5;
	[dreg:$0x15] =	wrdreg s24;
	s25 =	sadd.s32 s23, s1  }
0x29: {  	s22 =	simm.s32 $0x7A00;
	s0 =	sadd.s32 s23, s6;
	[dreg:$0x16] =	wrdreg s25  }
0x2a: {  	v0 =	vimm.f32 $0.0e+00;
	s23 =	simm.s32 $0x0;
	[dreg:$0x17] =	wrdreg s0;
	s0 =	simm.s32 $0x9  }
.LBB2_1:
0x2b: {  	s24 =	simm.s32 $0x0;
	s25 =	simm.s32 $0x200  }
.LBB2_2:
0x2c: {  	p0 =	sne.s32 s25, $0x9E00;
	[tilespmem:s24+$0x70] =	vst v0  }
0x2d: {  	[tilespmem:s24+$0x0] =	vst v0  }
0x2e: {  	[tilespmem:s24+$0x10] =	vst v0  }
.Ltmp0:
0x2f: {  	[tilespmem:s24+$0x20] =	vst v0;
	(pc) =	sbr.rel @p0 .LBB2_2-.Ltmp0, $4  }
0x30: {  	[tilespmem:s24+$0x30] =	vst v0  }
0x31: {  	[tilespmem:s24+$0x40] =	vst v0  }
0x32: {  	[tilespmem:s24+$0x50] =	vst v0  }
0x33: {  	[tilespmem:s24+$0x60] =	vst v0;
	s24 =	sshra.s32 s25, $0x2;
	s25 =	sadd.s32 $0x200, s25  }
0x34: {  	[tilespmem:s24+$0x70] =	vst v0  }
0x35: {  	[tilespmem:s24+$0x0] =	vst v0  }
0x36: {  	[tilespmem:s24+$0x10] =	vst v0  }
0x37: {  	[tilespmem:s24+$0x20] =	vst v0  }
0x38: {  	[tilespmem:s24+$0x30] =	vst v0  }
0x39: {  	[tilespmem:s24+$0x40] =	vst v0  }
0x3a: {  	[tilespmem:s24+$0x50] =	vst v0  }
0x3b: {  	[tilespmem:s24+$0x60] =	vst v0;
	s24 =	simm.s32 $0x40;
	s25 =	simm.s32 $0x0  }
.LBB2_4:
0x3c: {  	p0 =	sne.s32 s24, $0x9FC0;
	[tilespmem:s25+$0x5200] =	vst v0;
	s25 =	smov.u32 s24;
	s24 =	sadd.s32 $0x40, s24  }
.Ltmp1:
0x3d: {  	(pc) =	sbr.rel @p0 .LBB2_4-.Ltmp1, $2  }
0x3e: {  	_ =	sdelay $0x2  }
0x3f: {  	s25 =	sshra.s32 s25, $0x2  }
0x40: {  	[tilespmem:s25+$0x5200] =	vst v0;
	s28 =	simm.s32 $0x0  }
0x41: {  	[spmem:s13] =	stream.linear.scatter [tilespmem:s28], [sflag:$0x9], $0x2800, $0x38;
	[tilespmem:$0x1CA80] =	vst v63  }
0x42: {  	_ =	swait.ge [sflag:s0], $0x2800  }
0x43: {  	[sflag:s0] =	ssyncset.done $0x0  }
0x44: {  	s24 =	rddreg [dreg:$0x10];
	[sflag:s0] =	ssyncadd.s32 $0xFFFFD800  }
0x45: {  	[spmem:s24] =	stream.linear.scatter [tilespmem:s28], [sflag:$0x9], $0x2800, $0x38;
	[tilespmem:$0x1CA80] =	vst v63  }
0x46: {  	_ =	swait.ge [sflag:s0], $0x2800  }
0x47: {  	[sflag:s0] =	ssyncset.done $0x0  }
0x48: {  	s25 =	rddreg [dreg:$0x11];
	[sflag:s0] =	ssyncadd.s32 $0xFFFFD800  }
0x49: {  	[spmem:s25] =	stream.linear.scatter [tilespmem:s28], [sflag:$0x9], $0x2800, $0x38;
	[tilespmem:$0x1CA80] =	vst v63  }
0x4a: {  	_ =	swait.ge [sflag:s0], $0x2800  }
0x4b: {  	[sflag:s0] =	ssyncset.done $0x0  }
0x4c: {  	s30 =	rddreg [dreg:$0x18];
	[sflag:s0] =	ssyncadd.s32 $0xFFFFD800  }
0x4d: {  	[spmem:s30] =	stream.linear.scatter [tilespmem:s28], [sflag:$0x9], $0x2800, $0x38;
	[tilespmem:$0x1CA80] =	vst v63  }
0x4e: {  	_ =	swait.ge [sflag:s0], $0x2800  }
0x4f: {  	[sflag:s0] =	ssyncset.done $0x0  }
0x50: {  	s31 =	rddreg [dreg:$0x19];
	[sflag:s0] =	ssyncadd.s32 $0xFFFFD800  }
0x51: {  	[spmem:s31] =	stream.linear.scatter [tilespmem:s28], [sflag:$0x9], $0x2800, $0x38;
	[tilespmem:$0x1CA80] =	vst v63  }
0x52: {  	_ =	swait.ge [sflag:s0], $0x2800  }
0x53: {  	[sflag:s0] =	ssyncset.done $0x0  }
0x54: {  	s25 =	rddreg [dreg:$0x1a];
	[sflag:s0] =	ssyncadd.s32 $0xFFFFD800  }
0x55: {  	[spmem:s25] =	stream.linear.scatter [tilespmem:s28], [sflag:$0x9], $0x2800, $0x38;
	[tilespmem:$0x1CA80] =	vst v63  }
0x56: {  	_ =	swait.ge [sflag:s0], $0x2800  }
0x57: {  	[sflag:s0] =	ssyncset.done $0x0  }
0x58: {  	s30 =	rddreg [dreg:$0x1b];
	[sflag:s0] =	ssyncadd.s32 $0xFFFFD800  }
0x59: {  	[spmem:s30] =	stream.linear.scatter [tilespmem:s28], [sflag:$0x9], $0x2800, $0x38;
	[tilespmem:$0x1CA80] =	vst v63  }
0x5a: {  	_ =	swait.ge [sflag:s0], $0x2800  }
0x5b: {  	[sflag:s0] =	ssyncset.done $0x0  }
0x5c: {  	s31 =	rddreg [dreg:$0x1c];
	[sflag:s0] =	ssyncadd.s32 $0xFFFFD800  }
0x5d: {  	[spmem:s31] =	stream.linear.scatter [tilespmem:s28], [sflag:$0x9], $0x2800, $0x38;
	[tilespmem:$0x1CA80] =	vst v63  }
0x5e: {  	_ =	swait.ge [sflag:s0], $0x2800  }
0x5f: {  	[sflag:s0] =	ssyncset.done $0x0  }
0x60: {  	[sflag:s0] =	ssyncadd.s32 $0xFFFFD800  }
0x61: {  	[bflag:$0x0] =	sbarrier.arrive $0xFFFF  }
0x62: {  	s25 =	rddreg [dreg:$0x6]  }
0x63: {  	s30 =	rddreg [dreg:$0x7]  }
0x64: {  	s31 =	rddreg [dreg:$0x8]  }
0x65: {  	s29 =	rddreg [dreg:$0x16]  }
0x66: {  	[tilespmem:s28], [sflag:$0x1] =	stream.linear.gather [hbm4b:s25+s28], $0x2800, $0x38;
	[tilespmem:$0x1CA80] =	vst v63  }
0x67: {  	s24 =	rddreg [dreg:$0x15]  }
0x68: {  	[tilespmem:s4], [sflag:$0x3] =	stream.linear.gather [hbm4b:s30+s28], $0x50, $0x38;
	[tilespmem:$0x1CA80] =	vst v63  }
0x69: {  	s25 =	rddreg [dreg:$0x17]  }
0x6a: {  	[tilespmem:s7], [sflag:$0x5] =	stream.linear.gather [hbm4b:s31+s28], $0x50, $0x38;
	[tilespmem:$0x1CA80] =	vst v63  }
.LBB2_6:
0x6b: {  	_ =	swait.ge [sflag:s8], $0x2800  }
0x6c: {  	[sflag:s8] =	ssyncset.done $0x0  }
0x6d: {  	[sflag:s8] =	ssyncadd.s32 $0xFFFFD800  }
0x6e: {  	_ =	swait.ge [sflag:s9], $0x50  }
0x6f: {  	[sflag:s9] =	ssyncset.done $0x0  }
0x70: {  	[sflag:s9] =	ssyncadd.s32 $0xFFFFFFB0  }
0x71: {  	_ =	swait.ge [sflag:s10], $0x50  }
0x72: {  	p0 =	seq.s32 s28, $0x0;
	[sflag:s10] =	ssyncset.done $0x0  }
0x73: {  	s30 =	simm.s32 @!p0 $0x8;
	[sflag:s10] =	ssyncadd.s32 $0xFFFFFFB0  }
0x74: {  	_ =	swait.ge @!p0 [sflag:s30], $0x2800  }
0x75: {  	s31 =	rddreg [dreg:$0x5]  }
0x76: {  	[sflag:s30] =	ssyncset.done @!p0 $0x0;
	s31 =	sadd.s32 s28, s31  }
0x77: {  	[sflag:s30] =	ssyncadd.s32 @!p0 $0xFFFFD800;
	s30 =	sadd.s32 $0x500, s31  }
0x78: {  	[tilespmem:s11], [sflag:$0x2] =	stream.linear.gather [hbm4b:s30+s5], $0x2800, $0x38;
	[tilespmem:$0x1CA80] =	vst v63  }
0x79: {  	_ = 	snop  }
0x7a: {  	[tilespmem:s12], [sflag:$0x4] =	stream.linear.gather [hbm4b:s25+s5], $0x50, $0x38;
	[tilespmem:$0x1CA80] =	vst v63  }
0x7b: {  	_ = 	snop  }
0x7c: {  	[tilespmem:s14], [sflag:$0x6] =	stream.linear.gather [hbm4b:s29+s5], $0x50, $0x38;
	[tilespmem:$0x1CA80] =	vst v63  }
0x7d: {  	_ = 	snop  }
0x7e: {  	[spmem:s3] =	stream.indirect.scatter.add.f32 [tilespmem:s5], [sflag:$0x7], $0x80, s4, s15, $0xb8;
	[tilespmem:$0x1CA80] =	vst v63  }
0x7f: {  	v1 =	vld [tilespmem:$0x5000];
	_ =	sdelay $0x2  }
0x80: {  	v2 =	vld [tilespmem:$0x5100];
	_ =	sdelay $0x4  }
0x81: {  	[tilespmem:v1+s16+$0x0] =	vst.idx.add.f32.msk $0xffff, v2  }
0x82: {  	v1 =	vld [tilespmem:$0x5010];
	_ =	sdelay $0x2  }
0x83: {  	v2 =	vld [tilespmem:$0x5110];
	_ =	sdelay $0x4  }
0x84: {  	[tilespmem:v1+s16+$0x0] =	vst.idx.add.f32.msk $0xffff, v2  }
0x85: {  	v1 =	vld [tilespmem:$0x5020];
	_ =	sdelay $0x2  }
0x86: {  	v2 =	vld [tilespmem:$0x5120];
	_ =	sdelay $0x4  }
0x87: {  	[tilespmem:v1+s16+$0x0] =	vst.idx.add.f32.msk $0xffff, v2  }
0x88: {  	v1 =	vld [tilespmem:$0x5030];
	_ =	sdelay $0x2  }
0x89: {  	v2 =	vld [tilespmem:$0x5130];
	_ =	sdelay $0x4  }
0x8a: {  	[tilespmem:v1+s16+$0x0] =	vst.idx.add.f32.msk $0xffff, v2  }
0x8b: {  	v1 =	vld [tilespmem:$0x5040];
	_ =	sdelay $0x2  }
0x8c: {  	v2 =	vld [tilespmem:$0x5140];
	_ =	sdelay $0x4  }
0x8d: {  	[tilespmem:v1+s16+$0x0] =	vst.idx.add.f32.msk $0xffff, v2  }
0x8e: {  	_ =	swait.ge [sflag:s17], $0x2800  }
0x8f: {  	[sflag:s17] =	ssyncset.done $0x0  }
0x90: {  	[sflag:s17] =	ssyncadd.s32 $0xFFFFD800  }
0x91: {  	_ =	swait.ge [sflag:s18], $0x50  }
0x92: {  	[sflag:s18] =	ssyncset.done $0x0  }
0x93: {  	[sflag:s18] =	ssyncadd.s32 $0xFFFFFFB0  }
0x94: {  	_ =	swait.ge [sflag:s19], $0x50  }
0x95: {  	[sflag:s19] =	ssyncset.done $0x0  }
0x96: {  	[sflag:s19] =	ssyncadd.s32 $0xFFFFFFB0  }
0x97: {  	_ =	swait.ge [sflag:s20], $0x2800  }
0x98: {  	[sflag:s20] =	ssyncset.done $0x0  }
0x99: {  	s31 =	sadd.s32 $0xA00, s31;
	s30 =	sshrl.u32 s24, $0x3;
	[sflag:s20] =	ssyncadd.s32 $0xFFFFD800  }
0x9a: {  	[tilespmem:s5], [sflag:$0x1] =	stream.linear.gather [hbm4b:s31+s5], $0x2800, $0x38;
	[tilespmem:$0x1CA80] =	vst v63  }
0x9b: {  	s31 =	sadd.s32 s6, s30  }
0x9c: {  	[tilespmem:s4], [sflag:$0x3] =	stream.linear.gather [hbm4b:s31+s5], $0x50, $0x38;
	[tilespmem:$0x1CA80] =	vst v63  }
0x9d: {  	s30 =	sadd.s32 s1, s30  }
0x9e: {  	[tilespmem:s7], [sflag:$0x5] =	stream.linear.gather [hbm4b:s30+s5], $0x50, $0x38;
	[tilespmem:$0x1CA80] =	vst v63  }
0x9f: {  	_ = 	snop  }
0xa0: {  	[spmem:s3] =	stream.indirect.scatter.add.f32 [tilespmem:s11], [sflag:$0x8], $0x80, s12, s15, $0xb8;
	[tilespmem:$0x1CA80] =	vst v63  }
0xa1: {  	v1 =	vld [tilespmem:$0x5080];
	_ =	sdelay $0x2  }
0xa2: {  	v2 =	vld [tilespmem:$0x5180];
	_ =	sdelay $0x4  }
0xa3: {  	[tilespmem:v1+s16+$0x0] =	vst.idx.add.f32.msk $0xffff, v2  }
0xa4: {  	v1 =	vld [tilespmem:$0x5090];
	_ =	sdelay $0x2  }
0xa5: {  	v2 =	vld [tilespmem:$0x5190];
	_ =	sdelay $0x4  }
0xa6: {  	[tilespmem:v1+s16+$0x0] =	vst.idx.add.f32.msk $0xffff, v2  }
0xa7: {  	v1 =	vld [tilespmem:$0x50A0];
	_ =	sdelay $0x2  }
0xa8: {  	v2 =	vld [tilespmem:$0x51A0];
	_ =	sdelay $0x4  }
0xa9: {  	[tilespmem:v1+s16+$0x0] =	vst.idx.add.f32.msk $0xffff, v2  }
0xaa: {  	v1 =	vld [tilespmem:$0x50B0];
	_ =	sdelay $0x2  }
0xab: {  	v2 =	vld [tilespmem:$0x51B0];
	_ =	sdelay $0x4  }
0xac: {  	[tilespmem:v1+s16+$0x0] =	vst.idx.add.f32.msk $0xffff, v2  }
0xad: {  	v1 =	vld [tilespmem:$0x50C0];
	_ =	sdelay $0x1  }
0xae: {  	s28 =	sadd.s32 $0xA00, s28  }
0xaf: {  	p0 =	sne.s32 s28, $0x26C00;
	v2 =	vld [tilespmem:$0x51C0]  }
.Ltmp2:
0xb0: {  	_ = 	snop;
	(pc) =	sbr.rel @p0 .LBB2_6-.Ltmp2, $2  }
0xb1: {  	_ =	sdelay $0x2  }
0xb2: {  	s24 =	sadd.s32 $0xA0, s24;
	s25 =	sadd.s32 $0x14, s25;
	s29 =	sadd.s32 $0x14, s29;
	[tilespmem:v1+s16+$0x0] =	vst.idx.add.f32.msk $0xffff, v2  }
0xb3: {  	_ =	swait.ge [sflag:s21], $0x2800  }
0xb4: {  	[sflag:s21] =	ssyncset.done $0x0  }
0xb5: {  	[sflag:s21] =	ssyncadd.s32 $0xFFFFD800  }
0xb6: {  	_ =	swait.ge [sflag:s8], $0x2800  }
0xb7: {  	[sflag:s8] =	ssyncset.done $0x0  }
0xb8: {  	[sflag:s8] =	ssyncadd.s32 $0xFFFFD800  }
0xb9: {  	_ =	swait.ge [sflag:s9], $0x50  }
0xba: {  	[sflag:s9] =	ssyncset.done $0x0  }
0xbb: {  	[sflag:s9] =	ssyncadd.s32 $0xFFFFFFB0  }
0xbc: {  	_ =	swait.ge [sflag:s10], $0x50  }
0xbd: {  	[sflag:s10] =	ssyncset.done $0x0  }
0xbe: {  	s24 =	simm.s32 $0x0;
	[sflag:s10] =	ssyncadd.s32 $0xFFFFFFB0  }
0xbf: {  	[spmem:s3] =	stream.indirect.scatter.add.f32 [tilespmem:s24], [sflag:$0x7], $0x80, s4, s15, $0xb8;
	[tilespmem:$0x1CA80] =	vst v63  }
0xc0: {  	v1 =	vld [tilespmem:$0x5000];
	_ =	sdelay $0x2  }
0xc1: {  	v2 =	vld [tilespmem:$0x5100];
	_ =	sdelay $0x4  }
0xc2: {  	[tilespmem:v1+s16+$0x0] =	vst.idx.add.f32.msk $0xffff, v2  }
0xc3: {  	v1 =	vld [tilespmem:$0x5010];
	_ =	sdelay $0x2  }
0xc4: {  	v2 =	vld [tilespmem:$0x5110];
	_ =	sdelay $0x4  }
0xc5: {  	[tilespmem:v1+s16+$0x0] =	vst.idx.add.f32.msk $0xffff, v2  }
0xc6: {  	v1 =	vld [tilespmem:$0x5020];
	_ =	sdelay $0x2  }
0xc7: {  	v2 =	vld [tilespmem:$0x5120];
	_ =	sdelay $0x4  }
0xc8: {  	[tilespmem:v1+s16+$0x0] =	vst.idx.add.f32.msk $0xffff, v2  }
0xc9: {  	v1 =	vld [tilespmem:$0x5030];
	_ =	sdelay $0x2  }
0xca: {  	v2 =	vld [tilespmem:$0x5130];
	_ =	sdelay $0x4  }
0xcb: {  	[tilespmem:v1+s16+$0x0] =	vst.idx.add.f32.msk $0xffff, v2  }
0xcc: {  	v1 =	vld [tilespmem:$0x5040];
	_ =	sdelay $0x2  }
0xcd: {  	v2 =	vld [tilespmem:$0x5140];
	_ =	sdelay $0x4  }
0xce: {  	[tilespmem:v1+s16+$0x0] =	vst.idx.add.f32.msk $0xffff, v2  }
0xcf: {  	_ =	swait.ge [sflag:s20], $0x2800  }
0xd0: {  	[sflag:s20] =	ssyncset.done $0x0  }
0xd1: {  	s25 =	simm.s32 $0x7AA0;
	[sflag:s20] =	ssyncadd.s32 $0xFFFFD800  }
.LBB2_8:
0xd2: {  	s28 =	sadd.s32 s24, s2  }
0xd3: {  	[tilespmem:s22], [sflag:$0x9] =	stream.linear.gather [hbm4b:s28+s5], $0x40, $0x38;
	[tilespmem:$0x1CA80] =	vst v63  }
0xd4: {  	_ =	swait.ge [sflag:s0], $0x40  }
0xd5: {  	[sflag:s0] =	ssyncset.done $0x0  }
0xd6: {  	[sflag:s0] =	ssyncadd.s32 $0xFFFFFFC0  }
0xd7: {  	v1 =	vld [tilespmem:$0x7A00];
	_ =	sdelay $0x7  }
0xd8: {  	v1 =	vld.idx.msk [tilespmem:v1+s16+$0x0], $0xffff;
	_ =	sdelay $0x4  }
0xd9: {  	[tilespmem:s25+$0xFFFFFFE0] =	vst v1  }
0xda: {  	v1 =	vld [tilespmem:$0x7A10];
	_ =	sdelay $0x7  }
0xdb: {  	v1 =	vld.idx.msk [tilespmem:v1+s16+$0x0], $0xffff;
	_ =	sdelay $0x4  }
0xdc: {  	[tilespmem:s25+$0xFFFFFFF0] =	vst v1  }
0xdd: {  	v1 =	vld [tilespmem:$0x7A20];
	_ =	sdelay $0x7  }
0xde: {  	v1 =	vld.idx.msk [tilespmem:v1+s16+$0x0], $0xffff;
	_ =	sdelay $0x4  }
0xdf: {  	[tilespmem:s25+$0x0] =	vst v1  }
0xe0: {  	v1 =	vld [tilespmem:$0x7A30];
	_ =	sdelay $0x7  }
0xe1: {  	p0 =	sne.s32 s24, $0x1F8;
	v1 =	vld.idx.msk [tilespmem:v1+s16+$0x0], $0xffff  }
.Ltmp3:
0xe2: {  	_ = 	snop;
	(pc) =	sbr.rel @p0 .LBB2_8-.Ltmp3, $2  }
0xe3: {  	_ =	sdelay $0x2  }
0xe4: {  	s24 =	sadd.s32 $0x8, s24;
	[tilespmem:s25+$0x10] =	vst v1;
	s25 =	sadd.s32 $0x40, s25  }
0xe5: {  	s24 =	rddreg [dreg:$0x9]  }
0xe6: {  	s25 =	simm.s32 $0x80;
	s28 =	simm.s32 $0x400;
	s29 =	simm.s32 $0x7A80  }
0xe7: {  	[hbm4b:s24+s25] =	stream.strided.scatter [tilespmem:s29], [sflag:$0x9], $0x1000, s28, s25, $0x38;
	[tilespmem:$0x1CA80] =	vst v63  }
0xe8: {  	_ =	swait.ge [sflag:s0], $0x1000  }
0xe9: {  	[sflag:s0] =	ssyncset.done $0x0  }
0xea: {  	[sflag:s0] =	ssyncadd.s32 $0xFFFFF000  }
0xeb: {  	[bflag:$0x0] =	sbarrier.arrive $0xFFFF  }
0xec: {  	s28 =	rddreg [dreg:$0xa]  }
0xed: {  	[tilespmem:s22], [sflag:$0x9] =	stream.linear.gather [hbm4b:s28+s5], $0x40, $0x38;
	[tilespmem:$0x1CA80] =	vst v63  }
0xee: {  	_ =	swait.ge [sflag:s0], $0x40  }
0xef: {  	[sflag:s0] =	ssyncset.done $0x0  }
0xf0: {  	[sflag:s0] =	ssyncadd.s32 $0xFFFFFFC0  }
0xf1: {  	[tilespmem:s5], [sflag:$0x9] =	stream.indirect.gather [spmem:s3], $0x80, s22, s26, $0xb8;
	[tilespmem:$0x1CA80] =	vst v63  }
0xf2: {  	_ =	swait.ge [sflag:s0], $0x2000  }
0xf3: {  	[sflag:s0] =	ssyncset.done $0x0  }
0xf4: {  	s29 =	rddreg [dreg:$0xc];
	[sflag:s0] =	ssyncadd.s32 $0xFFFFE000  }
0xf5: {  	[hbm4b:s29+s5] =	stream.linear.scatter [tilespmem:s5], [sflag:$0x9], $0x2000, $0x38;
	[tilespmem:$0x1CA80] =	vst v63  }
0xf6: {  	_ =	swait.ge [sflag:s0], $0x2000  }
0xf7: {  	[sflag:s0] =	ssyncset.done $0x0  }
0xf8: {  	s30 =	rddreg [dreg:$0x12];
	[sflag:s0] =	ssyncadd.s32 $0xFFFFE000  }
0xf9: {  	[tilespmem:s22], [sflag:$0x9] =	stream.linear.gather [hbm4b:s30+s5], $0x40, $0x38;
	[tilespmem:$0x1CA80] =	vst v63  }
0xfa: {  	_ =	swait.ge [sflag:s0], $0x40  }
0xfb: {  	[sflag:s0] =	ssyncset.done $0x0  }
0xfc: {  	[sflag:s0] =	ssyncadd.s32 $0xFFFFFFC0  }
0xfd: {  	[tilespmem:s5], [sflag:$0x9] =	stream.indirect.gather [spmem:s3], $0x80, s22, s26, $0xb8;
	[tilespmem:$0x1CA80] =	vst v63  }
0xfe: {  	_ =	swait.ge [sflag:s0], $0x2000  }
0xff: {  	[sflag:s0] =	ssyncset.done $0x0  }
0x100: {  	s31 =	rddreg [dreg:$0xd];
	[sflag:s0] =	ssyncadd.s32 $0xFFFFE000  }
0x101: {  	[hbm4b:s31+s5] =	stream.linear.scatter [tilespmem:s5], [sflag:$0x9], $0x2000, $0x38;
	[tilespmem:$0x1CA80] =	vst v63  }
0x102: {  	_ =	swait.ge [sflag:s0], $0x2000  }
0x103: {  	[sflag:s0] =	ssyncset.done $0x0  }
0x104: {  	s25 =	rddreg [dreg:$0x13];
	[sflag:s0] =	ssyncadd.s32 $0xFFFFE000  }
0x105: {  	[tilespmem:s22], [sflag:$0x9] =	stream.linear.gather [hbm4b:s25+s5], $0x40, $0x38;
	[tilespmem:$0x1CA80] =	vst v63  }
0x106: {  	_ =	swait.ge [sflag:s0], $0x40  }
0x107: {  	[sflag:s0] =	ssyncset.done $0x0  }
0x108: {  	[sflag:s0] =	ssyncadd.s32 $0xFFFFFFC0  }
0x109: {  	[tilespmem:s5], [sflag:$0x9] =	stream.indirect.gather [spmem:s3], $0x80, s22, s26, $0xb8;
	[tilespmem:$0x1CA80] =	vst v63  }
0x10a: {  	_ =	swait.ge [sflag:s0], $0x2000  }
0x10b: {  	[sflag:s0] =	ssyncset.done $0x0  }
0x10c: {  	s28 =	rddreg [dreg:$0xe];
	[sflag:s0] =	ssyncadd.s32 $0xFFFFE000  }
0x10d: {  	[hbm4b:s28+s5] =	stream.linear.scatter [tilespmem:s5], [sflag:$0x9], $0x2000, $0x38;
	[tilespmem:$0x1CA80] =	vst v63  }
0x10e: {  	_ =	swait.ge [sflag:s0], $0x2000  }
0x10f: {  	[sflag:s0] =	ssyncset.done $0x0  }
0x110: {  	s29 =	rddreg [dreg:$0x14];
	[sflag:s0] =	ssyncadd.s32 $0xFFFFE000  }
0x111: {  	[tilespmem:s22], [sflag:$0x9] =	stream.linear.gather [hbm4b:s29+s5], $0x40, $0x38;
	[tilespmem:$0x1CA80] =	vst v63  }
0x112: {  	_ =	swait.ge [sflag:s0], $0x40  }
0x113: {  	[sflag:s0] =	ssyncset.done $0x0  }
0x114: {  	[sflag:s0] =	ssyncadd.s32 $0xFFFFFFC0  }
0x115: {  	[tilespmem:s5], [sflag:$0x9] =	stream.indirect.gather [spmem:s3], $0x80, s22, s26, $0xb8;
	[tilespmem:$0x1CA80] =	vst v63  }
0x116: {  	_ =	swait.ge [sflag:s0], $0x2000  }
0x117: {  	[sflag:s0] =	ssyncset.done $0x0  }
0x118: {  	s30 =	rddreg [dreg:$0xf];
	[sflag:s0] =	ssyncadd.s32 $0xFFFFE000  }
0x119: {  	[hbm4b:s30+s5] =	stream.linear.scatter [tilespmem:s5], [sflag:$0x9], $0x2000, $0x38;
	[tilespmem:$0x1CA80] =	vst v63  }
0x11a: {  	_ =	swait.ge [sflag:s0], $0x2000  }
0x11b: {  	s23 =	sadd.s32 $0x1, s23;
	s31 =	rddreg [dreg:$0xb]  }
0x11c: {  	p0 =	sne.s32 s23, s31  }
.Ltmp4:
0x11d: {  	_ = 	snop;
	(pc) =	sbr.rel @p0 .LBB2_1-.Ltmp4, $3  }
0x11e: {  	_ =	sdelay $0x1  }
0x11f: {  	[sflag:s0] =	ssyncset.done $0x0  }
0x120: {  	[sflag:s0] =	ssyncadd.s32 $0xFFFFE000  }
0x121: {  	_ =	sfence.sel $0x180000  }
0x122: {  	[bflag:$0x0] =	sbarrier.arrive $0xFFFF  }
0x123: {  	_ =	strace $0x90000047  }
0x124: {  	s0 =	stileid.u32;
	[bflag:$0x2] =	sbarrier.arrive $0xFFFF  }
0x125: {  	p0 =	sne.s32 s0, $0x0;
	s0 =	rddreg [dreg:$0x4]  }
0x126: {  	s0 =	sadd.s32 @!p0 $0x100000, s0  }
0x127: {  	[sflag:s0] =	ssyncadd.tile.s32 @!p0 $0x1;
	_ =	shalt  }
.Lfunc_end2:
_tile_overlayer_lowered:
.L_overlay_start_2:
0x128: {  	(tag) =	ssettag $0x2  }
0x129: {  	s0 =	rddreg [dreg:$0x0];
	s2 =	stileid.u32  }
0x12a: {  	s1 =	rddreg [dreg:$0x1];
	p0 =	sne.s32 s2, $0x0  }
0x12b: {  	s3 =	rddreg [dreg:$0x2];
	[bflag:$0x3] =	sbarrier.arrive $0xFFFF;
	s2 =	simm.s32 @!p0 $0x1C09  }
0x12c: {  	[timem:s3], [sflag:s2] =	dma.local @!p0 [hbm:s0], s1  }
0x12d: {  	s0 =	simm.s32 @!p0 $0x9  }
0x12e: {  	_ =	swait.ge @!p0 [sflag:s0], s1  }
0x12f: {  	s1 =	ssub.s32 @!p0 $0x0, s1;
	[sflag:s0] =	ssyncset.done @!p0 $0x0  }
0x130: {  	[sflag:s0] =	ssyncadd.s32 @!p0 s1  }
0x131: {  	[bflag:$0x3] =	sbarrier.arrive $0xFFFF  }
0x132: {  	_ =	shalt  }

</sc_bundles>
